<compile_context>
chip_gen: v7x
topology: tpu7x:2x2x1
jax: 0.10.2.dev20260603
libtpu: 0.0.44.dev20260713+nightly
codegen_flags: <defaults>
</compile_context>

<pallas_src>
import functools

import jax
import jax.numpy as jnp
from jax import lax
from jax.experimental import pallas as pl
from jax.experimental.pallas import tpu as pltpu
from jax.experimental.pallas import tpu_sc as plsc

N = 10000
E = 320000
D = 128

NC = 2
NS = 16
NW = NC * NS

CHUNK = 128
NCH = 79
EPT = NCH * CHUNK
E_PAD = NW * EPT
DUMP = N
N_PAD = 10240
TILE_N = N_PAD // NS
RV = 2 * CHUNK

RB = 2048
GRID = (N + RB - 1) // RB
_f32 = jnp.float32

_mesh = plsc.VectorSubcoreMesh(core_axis_name="c", subcore_axis_name="s")



@functools.partial(
    pl.kernel,
    out_type=jax.ShapeDtypeStruct((NC, N_PAD), _f32),
    mesh=_mesh,
    scratch_types=[
        pltpu.VMEM((NCH, 2, CHUNK), jnp.int32),
        pltpu.VMEM((CHUNK,), _f32),
        pltpu.VMEM((TILE_N,), _f32),
        pltpu.VMEM_SHARED((N_PAD,), _f32),
    ],
)
def _deg_kernel(idx_hbm, out_hbm, idx_v, ones_v, zer_v, deg_sh):
    ci = lax.axis_index("c")
    si = lax.axis_index("s")
    w = ci * NS + si

    @pl.loop(0, CHUNK, step=16)
    def _(i):
        ones_v[pl.ds(i, 16)] = jnp.ones((16,), _f32)

    @pl.loop(0, TILE_N, step=16)
    def _(i):
        zer_v[pl.ds(i, 16)] = jnp.zeros((16,), _f32)

    pltpu.sync_copy(zer_v, deg_sh.at[pl.ds(si * TILE_N, TILE_N)])
    pltpu.sync_copy(idx_hbm.at[w], idx_v)
    plsc.subcore_barrier()

    @pl.loop(0, NCH)
    def _(ch):
        pltpu.sync_copy(ones_v, deg_sh.at[idx_v.at[ch, 1]], add=True)

    plsc.subcore_barrier()
    pltpu.sync_copy(deg_sh.at[pl.ds(si * TILE_N, TILE_N)],
                    out_hbm.at[ci, pl.ds(si * TILE_N, TILE_N)])


@functools.partial(
    pl.kernel,
    out_type=jax.ShapeDtypeStruct((NC, N_PAD, D), _f32),
    mesh=_mesh,
    scratch_types=[
        pltpu.VMEM((NCH, 2, CHUNK), jnp.int32),
        pltpu.VMEM((CHUNK, D), _f32),
        pltpu.VMEM_SHARED((N_PAD, D), _f32),
        pltpu.SemaphoreType.DMA,
        pltpu.SemaphoreType.DMA,
    ],
)
def _mp_kernel(hs_hbm, idx_hbm, out_hbm,
               idx_v, rows_v, p_sh, g_sem, s_sem):
    ci = lax.axis_index("c")
    si = lax.axis_index("s")
    w = ci * NS + si

    @pl.loop(0, CHUNK)
    def _(r):
        @pl.loop(0, D, step=16)
        def _(cc):
            rows_v[r, pl.ds(cc, 16)] = jnp.zeros((16,), _f32)

    base = si * TILE_N
    for k in range(TILE_N // CHUNK):
        pltpu.sync_copy(rows_v, p_sh.at[pl.ds(base + k * CHUNK, CHUNK)])

    pltpu.sync_copy(idx_hbm.at[w], idx_v)
    plsc.subcore_barrier()

    @pl.loop(0, NCH)
    def _(ch):
        pltpu.async_copy(hs_hbm.at[idx_v.at[ch, 0]], rows_v, g_sem).wait()
        pltpu.async_copy(rows_v, p_sh.at[idx_v.at[ch, 1]], s_sem,
                         add=True).wait()

    plsc.subcore_barrier()
    pltpu.sync_copy(p_sh.at[pl.ds(si * TILE_N, TILE_N)],
                    out_hbm.at[ci, pl.ds(si * TILE_N, TILE_N)])



def _mmT(x, w):
    return lax.dot_general(x, w, (((1,), (1,)), ((), ())),
                           preferred_element_type=_f32)


def _dinv_of(deg_r):
    return lax.rsqrt(deg_r[0, :] + deg_r[1, :] + 1.0)


def _dense1_body(x_r, w0_r, ws_r, bs_r, deg_r, hs0_r, skip_r):
    dinv = _dinv_of(deg_r)
    x = x_r[...]
    hs0_r[...] = _mmT(x, w0_r[...]) * dinv[:, None]
    skip_r[...] = _mmT(x, ws_r[...]) + bs_r[...]


def _dense2_body(p_r, hs0_r, skip_r, deg_r, b0_r, a_r, w1_r, hs1_r):
    dinv = _dinv_of(deg_r)
    agg = (p_r[0] + p_r[1] + hs0_r[...]) * dinv[:, None] + b0_r[...]
    h1 = jnp.where(agg >= 0, agg, a_r[...] * agg)
    u = skip_r[...] + h1
    hs1_r[...] = _mmT(u, w1_r[...]) * dinv[:, None]


def _dense3_body(q_r, hs1_r, deg_r, b1_r, a_r, out_r):
    dinv = _dinv_of(deg_r)
    agg = (q_r[0] + q_r[1] + hs1_r[...]) * dinv[:, None] + b1_r[...]
    out_r[...] = jnp.where(agg >= 0, agg, a_r[...] * agg)


_row = lambda: pl.BlockSpec((RB, D), lambda i: (i, 0))
_full = lambda: pl.BlockSpec((D, D), lambda i: (0, 0))
_vec = lambda: pl.BlockSpec((1, D), lambda i: (0, 0))
_degb = lambda: pl.BlockSpec((NC, RB), lambda i: (0, i))
_part = lambda: pl.BlockSpec((NC, RB, D), lambda i: (0, i, 0))
_nd = lambda: jax.ShapeDtypeStruct((N, D), _f32)


def _dense1(x, W0, Ws, bs2, degp):
    return pl.pallas_call(
        _dense1_body,
        grid=(GRID,),
        in_specs=[_row(), _full(), _full(), _vec(), _degb()],
        out_specs=[_row(), _row()],
        out_shape=[_nd(), _nd()],
    )(x, W0, Ws, bs2, degp)


def _dense2(p, hs0, skip, degp, b02, a2, W1):
    return pl.pallas_call(
        _dense2_body,
        grid=(GRID,),
        in_specs=[_part(), _row(), _row(), _degb(), _vec(), _vec(), _full()],
        out_specs=_row(),
        out_shape=_nd(),
    )(p, hs0, skip, degp, b02, a2, W1)


def _dense3(q, hs1, degp, b12, a2):
    return pl.pallas_call(
        _dense3_body,
        grid=(GRID,),
        in_specs=[_part(), _row(), _degb(), _vec(), _vec()],
        out_specs=_row(),
        out_shape=_nd(),
    )(q, hs1, degp, b12, a2)



def kernel(x, edge_index, W0, b0, W1, b1, Ws, bs, a):
    src = edge_index[0].astype(jnp.int32)
    dst = edge_index[1].astype(jnp.int32)
    pad = E_PAD - E
    srcp = jnp.concatenate([src, jnp.zeros((pad,), jnp.int32)])
    dstp = jnp.concatenate([dst, jnp.full((pad,), DUMP, jnp.int32)])
    idxp = jnp.stack([srcp.reshape(NW, NCH, CHUNK),
                      dstp.reshape(NW, NCH, CHUNK)], axis=2)

    bs2 = bs.reshape(1, D)
    b02 = b0.reshape(1, D)
    b12 = b1.reshape(1, D)
    a2 = a.reshape(1, D)

    degp = _deg_kernel(idxp)
    hs0, skip = _dense1(x, W0, Ws, bs2, degp)
    p = _mp_kernel(hs0, idxp)
    hs1 = _dense2(p, hs0, skip, degp, b02, a2, W1)
    q = _mp_kernel(hs1, idxp)
    return _dense3(q, hs1, degp, b12, a2)

# --- scband reference (transcript-rebuilt; emitter-appended) ---
"""Pipeline reference for scband-encoder-gcl-45913200394643 (READ-ONLY COPY).

The authoritative reference and input builder live on the scoring server;
editing this copy changes nothing except your own understanding.
"""

import jax, jax.numpy as jnp
import numpy as np

N = 10000
E = 320000
D_IN = 128
D_OUT = 128


def setup_inputs(seed: int = 0) -> dict:
    key = jax.random.key(seed)
    ks = jax.random.split(key, 10)
    x = jax.random.normal(ks[0], (N, D_IN), dtype=jnp.float32)
    edge_index = jax.random.randint(ks[1], (2, E), 0, N)
    s_in = 1.0 / np.sqrt(D_IN)
    s_out = 1.0 / np.sqrt(D_OUT)
    W0 = jax.random.normal(ks[2], (D_OUT, D_IN), dtype=jnp.float32) * s_in
    b0 = jnp.zeros((D_OUT,), dtype=jnp.float32)
    W1 = jax.random.normal(ks[3], (D_OUT, D_OUT), dtype=jnp.float32) * s_out
    b1 = jnp.zeros((D_OUT,), dtype=jnp.float32)
    Ws = jax.random.normal(ks[4], (D_OUT, D_IN), dtype=jnp.float32) * s_in
    bs = jax.random.normal(ks[5], (D_OUT,), dtype=jnp.float32) * s_in
    a = jnp.full((D_OUT,), 0.25, dtype=jnp.float32)  # PReLU per-channel weight
    return {"x": x, "edge_index": edge_index, "W0": W0, "b0": b0,
            "W1": W1, "b1": b1, "Ws": Ws, "bs": bs, "a": a}


def _prelu(x, a):
    return jnp.where(x >= 0, x, a * x)


def reference(x, edge_index, W0, b0, W1, b1, Ws, bs, a):
    src = edge_index[0]
    dst = edge_index[1]
    loop = jnp.arange(N, dtype=src.dtype)
    src_f = jnp.concatenate([src, loop])
    dst_f = jnp.concatenate([dst, loop])
    # symmetric GCN normalization on A + I (edge_weight = 1)
    deg = jnp.zeros((N,), jnp.float32).at[dst_f].add(1.0)
    dinv = jnp.where(deg > 0, deg ** -0.5, 0.0)
    norm = dinv[src_f] * dinv[dst_f]

    def gcn_conv(h_in, W, b):
        h = h_in @ W.T
        msg = h[src_f] * norm[:, None]
        out = jnp.zeros((N, h.shape[1]), jnp.float32).at[dst_f].add(msg)
        return out + b

    # Encoder_gcl with skip=True, k=2
    h = _prelu(gcn_conv(x, W0, b0), a)
    skip = x @ Ws.T + bs
    u = skip + h
    out = _prelu(gcn_conv(u, W1, b1), a)
    return out

if __name__ == "__main__":
    import jax
    _d = setup_inputs()
    print(jax.jit(kernel)(*tuple(_d.values())))

</pallas_src>

<mosaic_0001>
#map = affine_map<(d0, d1) -> (0, 0)>
#map1 = affine_map<(d0, d1) -> (0, 0, 0, 0)>
#map2 = affine_map<(d0, d1) -> (0, 0, 0)>
module attributes {stable_mosaic.version = 14 : i64} {
  func.func @_mp_kernel(%arg0: i32, %arg1: i32, %arg2: memref<10000x128xf32, #tpu.memory_space<hbm>>, %arg3: memref<32x79x2x128xi32, #tpu.memory_space<hbm>>, %arg4: memref<2x10240x128xf32, #tpu.memory_space<hbm>>, %arg5: memref<79x2x128xi32, #tpu.memory_space<vmem>>, %arg6: memref<128x128xf32, #tpu.memory_space<vmem>>, %arg7: memref<10240x128xf32, #tpu.memory_space<vmem_shared>>, %arg8: memref<!tpu.dma_semaphore, #tpu.memory_space<semaphore_mem>>, %arg9: memref<!tpu.dma_semaphore, #tpu.memory_space<semaphore_mem>>) attributes {dimension_semantics = [#tpu.dimension_semantics<core_parallel>, #tpu.dimension_semantics<subcore_parallel>], iteration_bounds = array<i64: 2, 16>, scalar_prefetch = 0 : i64, scratch_operands = 5 : i64, tpu.core_type = #tpu.core_type<sc_vector_subcore>, window_params = [{transform_indices = #map}, {transform_indices = #map1}, {transform_indices = #map2}]} {
    %mul3A = arith.constant 16 : i32
    %mul3A_0 = arith.muli %arg0, %mul3A : i32
    %add3A = arith.addi %mul3A_0, %arg1 : i32
    %scan3A = arith.constant 0 : i32
    %scan3A_1 = arith.constant 128 : i32
    %scan3A_2 = arith.addi %scan3A, %scan3A_1 : i32
    %scan3A_3 = arith.constant 1 : i32
    scf.for %scan3A_27 = %scan3A to %scan3A_2 step %scan3A_3  : i32 {
      %mul3A_28 = arith.constant 1 : i32
      %mul3A_29 = arith.muli %scan3A_27, %mul3A_28 : i32
      %add3A_30 = arith.constant 0 : i32
      %add3A_31 = arith.addi %add3A_30, %mul3A_29 : i32
      %scan3A_32 = arith.constant 0 : i32
      %scan3A_33 = arith.constant 8 : i32
      %scan3A_34 = arith.addi %scan3A_32, %scan3A_33 : i32
      %scan3A_35 = arith.constant 1 : i32
      scf.for %scan3A_37 = %scan3A_32 to %scan3A_34 step %scan3A_35  : i32 {
        %mul3A_38 = arith.constant 16 : i32
        %mul3A_39 = arith.muli %scan3A_37, %mul3A_38 : i32
        %add3A_40 = arith.constant 0 : i32
        %add3A_41 = arith.addi %add3A_40, %mul3A_39 : i32
        %broadcast_in_dim3A = arith.constant 0.000000e+00 : f32
        %broadcast_in_dim3A_42 = vector.broadcast %broadcast_in_dim3A : f32 to vector<16xf32>
        %swap3A = arith.index_cast %add3A_31 : i32 to index
        %swap3A_43 = arith.index_cast %add3A_41 : i32 to index
        %swap3A_44 = tpu.vector_load %arg6[%swap3A, %swap3A_43] {strides = array<i32>} : memref<128x128xf32, #tpu.memory_space<vmem>>, vector<1x16xf32>,
        %swap3A_45 = vector.shape_cast %swap3A_44 : vector<1x16xf32> to vector<16xf32>
        %swap3A_46 = vector.shape_cast %broadcast_in_dim3A_42 : vector<16xf32> to vector<1x16xf32>
        tpu.vector_store %arg6[%swap3A, %swap3A_43], %swap3A_46 {strides = array<i32>} : memref<128x128xf32, #tpu.memory_space<vmem>>, vector<1x16xf32>,
      }
      %scan3A_36 = arith.constant 8 : i32
    }
    %scan3A_4 = arith.constant 128 : i32
    %mul3A_5 = arith.constant 640 : i32
    %mul3A_6 = arith.muli %arg1, %mul3A_5 : i32
    %add3A_7 = arith.constant 0 : i32
    %add3A_8 = arith.addi %mul3A_6, %add3A_7 : i32
    "tpu.region"() ({
      %run_scoped3A = tpu.sem_alloc : memref<!tpu.dma_semaphore, #tpu.memory_space<semaphore_mem>>
      %dma_start3A = arith.constant 0 : i32
      %dma_start3A_27 = tpu.memref_slice %arg7[%add3A_8, %dma_start3A] : memref<10240x128xf32, #tpu.memory_space<vmem_shared>> -> memref<128x128xf32, #tpu.memory_space<vmem_shared>>
      %dma_start3A_28 = arith.constant 0 : i32
      %dma_start3A_29 = tpu.memref_slice %arg7[%add3A_8, %dma_start3A_28] : memref<10240x128xf32, #tpu.memory_space<vmem_shared>> -> memref<128x128xf32, #tpu.memory_space<vmem_shared>>
      tpu.enqueue_dma source(%arg6 : memref<128x128xf32, #tpu.memory_space<vmem>>) target(%dma_start3A_29 : memref<128x128xf32, #tpu.memory_space<vmem_shared>>) target_semaphore(%run_scoped3A : memref<!tpu.dma_semaphore, #tpu.memory_space<semaphore_mem>>)
      %dma_wait3A = arith.constant 0 : i32
      %dma_wait3A_30 = tpu.memref_slice %arg7[%add3A_8, %dma_wait3A] : memref<10240x128xf32, #tpu.memory_space<vmem_shared>> -> memref<128x128xf32, #tpu.memory_space<vmem_shared>>
      %dma_wait3A_31 = arith.constant 0 : i32
      %dma_wait3A_32 = tpu.memref_slice %arg7[%add3A_8, %dma_wait3A_31] : memref<10240x128xf32, #tpu.memory_space<vmem_shared>> -> memref<128x128xf32, #tpu.memory_space<vmem_shared>>
      tpu.wait_dma2 semaphore(%run_scoped3A : memref<!tpu.dma_semaphore, #tpu.memory_space<semaphore_mem>>) src(%arg6 : memref<128x128xf32, #tpu.memory_space<vmem>>) dst(%dma_wait3A_32 : memref<128x128xf32, #tpu.memory_space<vmem_shared>>)
      tpu.yield
    }) : () -> ()
    %add3A_9 = arith.constant 128 : i32
    %add3A_10 = arith.addi %mul3A_6, %add3A_9 : i32
    "tpu.region"() ({
      %run_scoped3A = tpu.sem_alloc : memref<!tpu.dma_semaphore, #tpu.memory_space<semaphore_mem>>
      %dma_start3A = arith.constant 0 : i32
      %dma_start3A_27 = tpu.memref_slice %arg7[%add3A_10, %dma_start3A] : memref<10240x128xf32, #tpu.memory_space<vmem_shared>> -> memref<128x128xf32, #tpu.memory_space<vmem_shared>>
      %dma_start3A_28 = arith.constant 0 : i32
      %dma_start3A_29 = tpu.memref_slice %arg7[%add3A_10, %dma_start3A_28] : memref<10240x128xf32, #tpu.memory_space<vmem_shared>> -> memref<128x128xf32, #tpu.memory_space<vmem_shared>>
      tpu.enqueue_dma source(%arg6 : memref<128x128xf32, #tpu.memory_space<vmem>>) target(%dma_start3A_29 : memref<128x128xf32, #tpu.memory_space<vmem_shared>>) target_semaphore(%run_scoped3A : memref<!tpu.dma_semaphore, #tpu.memory_space<semaphore_mem>>)
      %dma_wait3A = arith.constant 0 : i32
      %dma_wait3A_30 = tpu.memref_slice %arg7[%add3A_10, %dma_wait3A] : memref<10240x128xf32, #tpu.memory_space<vmem_shared>> -> memref<128x128xf32, #tpu.memory_space<vmem_shared>>
      %dma_wait3A_31 = arith.constant 0 : i32
      %dma_wait3A_32 = tpu.memref_slice %arg7[%add3A_10, %dma_wait3A_31] : memref<10240x128xf32, #tpu.memory_space<vmem_shared>> -> memref<128x128xf32, #tpu.memory_space<vmem_shared>>
      tpu.wait_dma2 semaphore(%run_scoped3A : memref<!tpu.dma_semaphore, #tpu.memory_space<semaphore_mem>>) src(%arg6 : memref<128x128xf32, #tpu.memory_space<vmem>>) dst(%dma_wait3A_32 : memref<128x128xf32, #tpu.memory_space<vmem_shared>>)
      tpu.yield
    }) : () -> ()
    %add3A_11 = arith.constant 256 : i32
    %add3A_12 = arith.addi %mul3A_6, %add3A_11 : i32
    "tpu.region"() ({
      %run_scoped3A = tpu.sem_alloc : memref<!tpu.dma_semaphore, #tpu.memory_space<semaphore_mem>>
      %dma_start3A = arith.constant 0 : i32
      %dma_start3A_27 = tpu.memref_slice %arg7[%add3A_12, %dma_start3A] : memref<10240x128xf32, #tpu.memory_space<vmem_shared>> -> memref<128x128xf32, #tpu.memory_space<vmem_shared>>
      %dma_start3A_28 = arith.constant 0 : i32
      %dma_start3A_29 = tpu.memref_slice %arg7[%add3A_12, %dma_start3A_28] : memref<10240x128xf32, #tpu.memory_space<vmem_shared>> -> memref<128x128xf32, #tpu.memory_space<vmem_shared>>
      tpu.enqueue_dma source(%arg6 : memref<128x128xf32, #tpu.memory_space<vmem>>) target(%dma_start3A_29 : memref<128x128xf32, #tpu.memory_space<vmem_shared>>) target_semaphore(%run_scoped3A : memref<!tpu.dma_semaphore, #tpu.memory_space<semaphore_mem>>)
      %dma_wait3A = arith.constant 0 : i32
      %dma_wait3A_30 = tpu.memref_slice %arg7[%add3A_12, %dma_wait3A] : memref<10240x128xf32, #tpu.memory_space<vmem_shared>> -> memref<128x128xf32, #tpu.memory_space<vmem_shared>>
      %dma_wait3A_31 = arith.constant 0 : i32
      %dma_wait3A_32 = tpu.memref_slice %arg7[%add3A_12, %dma_wait3A_31] : memref<10240x128xf32, #tpu.memory_space<vmem_shared>> -> memref<128x128xf32, #tpu.memory_space<vmem_shared>>
      tpu.wait_dma2 semaphore(%run_scoped3A : memref<!tpu.dma_semaphore, #tpu.memory_space<semaphore_mem>>) src(%arg6 : memref<128x128xf32, #tpu.memory_space<vmem>>) dst(%dma_wait3A_32 : memref<128x128xf32, #tpu.memory_space<vmem_shared>>)
      tpu.yield
    }) : () -> ()
    %add3A_13 = arith.constant 384 : i32
    %add3A_14 = arith.addi %mul3A_6, %add3A_13 : i32
    "tpu.region"() ({
      %run_scoped3A = tpu.sem_alloc : memref<!tpu.dma_semaphore, #tpu.memory_space<semaphore_mem>>
      %dma_start3A = arith.constant 0 : i32
      %dma_start3A_27 = tpu.memref_slice %arg7[%add3A_14, %dma_start3A] : memref<10240x128xf32, #tpu.memory_space<vmem_shared>> -> memref<128x128xf32, #tpu.memory_space<vmem_shared>>
      %dma_start3A_28 = arith.constant 0 : i32
      %dma_start3A_29 = tpu.memref_slice %arg7[%add3A_14, %dma_start3A_28] : memref<10240x128xf32, #tpu.memory_space<vmem_shared>> -> memref<128x128xf32, #tpu.memory_space<vmem_shared>>
      tpu.enqueue_dma source(%arg6 : memref<128x128xf32, #tpu.memory_space<vmem>>) target(%dma_start3A_29 : memref<128x128xf32, #tpu.memory_space<vmem_shared>>) target_semaphore(%run_scoped3A : memref<!tpu.dma_semaphore, #tpu.memory_space<semaphore_mem>>)
      %dma_wait3A = arith.constant 0 : i32
      %dma_wait3A_30 = tpu.memref_slice %arg7[%add3A_14, %dma_wait3A] : memref<10240x128xf32, #tpu.memory_space<vmem_shared>> -> memref<128x128xf32, #tpu.memory_space<vmem_shared>>
      %dma_wait3A_31 = arith.constant 0 : i32
      %dma_wait3A_32 = tpu.memref_slice %arg7[%add3A_14, %dma_wait3A_31] : memref<10240x128xf32, #tpu.memory_space<vmem_shared>> -> memref<128x128xf32, #tpu.memory_space<vmem_shared>>
      tpu.wait_dma2 semaphore(%run_scoped3A : memref<!tpu.dma_semaphore, #tpu.memory_space<semaphore_mem>>) src(%arg6 : memref<128x128xf32, #tpu.memory_space<vmem>>) dst(%dma_wait3A_32 : memref<128x128xf32, #tpu.memory_space<vmem_shared>>)
      tpu.yield
    }) : () -> ()
    %add3A_15 = arith.constant 512 : i32
    %add3A_16 = arith.addi %mul3A_6, %add3A_15 : i32
    "tpu.region"() ({
      %run_scoped3A = tpu.sem_alloc : memref<!tpu.dma_semaphore, #tpu.memory_space<semaphore_mem>>
      %dma_start3A = arith.constant 0 : i32
      %dma_start3A_27 = tpu.memref_slice %arg7[%add3A_16, %dma_start3A] : memref<10240x128xf32, #tpu.memory_space<vmem_shared>> -> memref<128x128xf32, #tpu.memory_space<vmem_shared>>
      %dma_start3A_28 = arith.constant 0 : i32
      %dma_start3A_29 = tpu.memref_slice %arg7[%add3A_16, %dma_start3A_28] : memref<10240x128xf32, #tpu.memory_space<vmem_shared>> -> memref<128x128xf32, #tpu.memory_space<vmem_shared>>
      tpu.enqueue_dma source(%arg6 : memref<128x128xf32, #tpu.memory_space<vmem>>) target(%dma_start3A_29 : memref<128x128xf32, #tpu.memory_space<vmem_shared>>) target_semaphore(%run_scoped3A : memref<!tpu.dma_semaphore, #tpu.memory_space<semaphore_mem>>)
      %dma_wait3A = arith.constant 0 : i32
      %dma_wait3A_30 = tpu.memref_slice %arg7[%add3A_16, %dma_wait3A] : memref<10240x128xf32, #tpu.memory_space<vmem_shared>> -> memref<128x128xf32, #tpu.memory_space<vmem_shared>>
      %dma_wait3A_31 = arith.constant 0 : i32
      %dma_wait3A_32 = tpu.memref_slice %arg7[%add3A_16, %dma_wait3A_31] : memref<10240x128xf32, #tpu.memory_space<vmem_shared>> -> memref<128x128xf32, #tpu.memory_space<vmem_shared>>
      tpu.wait_dma2 semaphore(%run_scoped3A : memref<!tpu.dma_semaphore, #tpu.memory_space<semaphore_mem>>) src(%arg6 : memref<128x128xf32, #tpu.memory_space<vmem>>) dst(%dma_wait3A_32 : memref<128x128xf32, #tpu.memory_space<vmem_shared>>)
      tpu.yield
    }) : () -> ()
    "tpu.region"() ({
      %run_scoped3A = tpu.sem_alloc : memref<!tpu.dma_semaphore, #tpu.memory_space<semaphore_mem>>
      %dma_start3A = arith.constant 0 : i32
      %dma_start3A_27 = arith.constant 0 : i32
      %dma_start3A_28 = arith.constant 0 : i32
      %dma_start3A_29 = tpu.memref_slice %arg3[%add3A, %dma_start3A, %dma_start3A_27, %dma_start3A_28] : memref<32x79x2x128xi32, #tpu.memory_space<hbm>> -> memref<1x79x2x128xi32, #tpu.memory_space<hbm>>
      %dma_start3A_30 = tpu.memref_squeeze %dma_start3A_29 : memref<1x79x2x128xi32, #tpu.memory_space<hbm>> -> memref<79x2x128xi32, #tpu.memory_space<hbm>>
      %dma_start3A_31 = arith.constant 0 : i32
      %dma_start3A_32 = arith.constant 0 : i32
      %dma_start3A_33 = arith.constant 0 : i32
      %dma_start3A_34 = tpu.memref_slice %arg3[%add3A, %dma_start3A_31, %dma_start3A_32, %dma_start3A_33] : memref<32x79x2x128xi32, #tpu.memory_space<hbm>> -> memref<1x79x2x128xi32, #tpu.memory_space<hbm>>
      %dma_start3A_35 = tpu.memref_squeeze %dma_start3A_34 : memref<1x79x2x128xi32, #tpu.memory_space<hbm>> -> memref<79x2x128xi32, #tpu.memory_space<hbm>>
      tpu.enqueue_dma source(%dma_start3A_35 : memref<79x2x128xi32, #tpu.memory_space<hbm>>) target(%arg5 : memref<79x2x128xi32, #tpu.memory_space<vmem>>) target_semaphore(%run_scoped3A : memref<!tpu.dma_semaphore, #tpu.memory_space<semaphore_mem>>)
      %dma_wait3A = arith.constant 0 : i32
      %dma_wait3A_36 = arith.constant 0 : i32
      %dma_wait3A_37 = arith.constant 0 : i32
      %dma_wait3A_38 = tpu.memref_slice %arg3[%add3A, %dma_wait3A, %dma_wait3A_36, %dma_wait3A_37] : memref<32x79x2x128xi32, #tpu.memory_space<hbm>> -> memref<1x79x2x128xi32, #tpu.memory_space<hbm>>
      %dma_wait3A_39 = tpu.memref_squeeze %dma_wait3A_38 : memref<1x79x2x128xi32, #tpu.memory_space<hbm>> -> memref<79x2x128xi32, #tpu.memory_space<hbm>>
      %dma_wait3A_40 = arith.constant 0 : i32
      %dma_wait3A_41 = arith.constant 0 : i32
      %dma_wait3A_42 = arith.constant 0 : i32
      %dma_wait3A_43 = tpu.memref_slice %arg3[%add3A, %dma_wait3A_40, %dma_wait3A_41, %dma_wait3A_42] : memref<32x79x2x128xi32, #tpu.memory_space<hbm>> -> memref<1x79x2x128xi32, #tpu.memory_space<hbm>>
      %dma_wait3A_44 = tpu.memref_squeeze %dma_wait3A_43 : memref<1x79x2x128xi32, #tpu.memory_space<hbm>> -> memref<79x2x128xi32, #tpu.memory_space<hbm>>
      tpu.wait_dma2 semaphore(%run_scoped3A : memref<!tpu.dma_semaphore, #tpu.memory_space<semaphore_mem>>) src(%dma_wait3A_44 : memref<79x2x128xi32, #tpu.memory_space<hbm>>) dst(%arg5 : memref<79x2x128xi32, #tpu.memory_space<vmem>>)
      tpu.yield
    }) : () -> ()
    %barrier3A = arith.constant 0 : index
    tpu.barrier barrier_id(%barrier3A)
    %scan3A_17 = arith.constant 0 : i32
    %scan3A_18 = arith.constant 79 : i32
    %scan3A_19 = arith.addi %scan3A_17, %scan3A_18 : i32
    %scan3A_20 = arith.constant 1 : i32
    scf.for %scan3A_27 = %scan3A_17 to %scan3A_19 step %scan3A_20  : i32 {
      %mul3A_28 = arith.constant 1 : i32
      %mul3A_29 = arith.muli %scan3A_27, %mul3A_28 : i32
      %add3A_30 = arith.constant 0 : i32
      %add3A_31 = arith.addi %add3A_30, %mul3A_29 : i32
      %dma_start3A = arith.constant 0 : i32
      %dma_start3A_32 = arith.constant 0 : i32
      %dma_start3A_33 = tpu.memref_slice %arg5[%add3A_31, %dma_start3A, %dma_start3A_32] : memref<79x2x128xi32, #tpu.memory_space<vmem>> -> memref<1x1x128xi32, #tpu.memory_space<vmem>>
      %dma_start3A_34 = tpu.memref_squeeze %dma_start3A_33 : memref<1x1x128xi32, #tpu.memory_space<vmem>> -> memref<128xi32, #tpu.memory_space<vmem>>
      %dma_start3A_35 = arith.constant 0 : i32
      %dma_start3A_36 = arith.constant 0 : i32
      %dma_start3A_37 = tpu.memref_slice %arg2[%dma_start3A_35, %dma_start3A_36] : memref<10000x128xf32, #tpu.memory_space<hbm>> -> memref<10000x128xf32, #tpu.memory_space<hbm>>
      tpu.enqueue_indirect_dma source(%dma_start3A_37 : memref<10000x128xf32, #tpu.memory_space<hbm>>) target(%arg6 : memref<128x128xf32, #tpu.memory_space<vmem>>) offsets(%dma_start3A_34 : memref<128xi32, #tpu.memory_space<vmem>>) semaphore(%arg8 : memref<!tpu.dma_semaphore, #tpu.memory_space<semaphore_mem>>)
      %dma_wait3A = arith.constant 0 : i32
      %dma_wait3A_38 = arith.constant 0 : i32
      %dma_wait3A_39 = tpu.memref_slice %arg5[%add3A_31, %dma_wait3A, %dma_wait3A_38] : memref<79x2x128xi32, #tpu.memory_space<vmem>> -> memref<1x1x128xi32, #tpu.memory_space<vmem>>
      %dma_wait3A_40 = tpu.memref_squeeze %dma_wait3A_39 : memref<1x1x128xi32, #tpu.memory_space<vmem>> -> memref<128xi32, #tpu.memory_space<vmem>>
      %dma_wait3A_41 = arith.constant 0 : i32
      %dma_wait3A_42 = arith.constant 0 : i32
      %dma_wait3A_43 = tpu.memref_slice %arg2[%dma_wait3A_41, %dma_wait3A_42] : memref<10000x128xf32, #tpu.memory_space<hbm>> -> memref<10000x128xf32, #tpu.memory_space<hbm>>
      tpu.wait_indirect_dma semaphore(%arg8 : memref<!tpu.dma_semaphore, #tpu.memory_space<semaphore_mem>>) src(%dma_wait3A_43 : memref<10000x128xf32, #tpu.memory_space<hbm>>) dst(%arg6 : memref<128x128xf32, #tpu.memory_space<vmem>>)
      %dma_start3A_44 = arith.constant 1 : i32
      %dma_start3A_45 = arith.constant 0 : i32
      %dma_start3A_46 = tpu.memref_slice %arg5[%add3A_31, %dma_start3A_44, %dma_start3A_45] : memref<79x2x128xi32, #tpu.memory_space<vmem>> -> memref<1x1x128xi32, #tpu.memory_space<vmem>>
      %dma_start3A_47 = tpu.memref_squeeze %dma_start3A_46 : memref<1x1x128xi32, #tpu.memory_space<vmem>> -> memref<128xi32, #tpu.memory_space<vmem>>
      %dma_start3A_48 = arith.constant 0 : i32
      %dma_start3A_49 = arith.constant 0 : i32
      %dma_start3A_50 = tpu.memref_slice %arg7[%dma_start3A_48, %dma_start3A_49] : memref<10240x128xf32, #tpu.memory_space<vmem_shared>> -> memref<10240x128xf32, #tpu.memory_space<vmem_shared>>
      tpu.enqueue_indirect_dma source(%arg6 : memref<128x128xf32, #tpu.memory_space<vmem>>) target(%dma_start3A_50 : memref<10240x128xf32, #tpu.memory_space<vmem_shared>>) offsets(%dma_start3A_47 : memref<128xi32, #tpu.memory_space<vmem>>) semaphore(%arg9 : memref<!tpu.dma_semaphore, #tpu.memory_space<semaphore_mem>>) {add = true}
      %dma_wait3A_51 = arith.constant 1 : i32
      %dma_wait3A_52 = arith.constant 0 : i32
      %dma_wait3A_53 = tpu.memref_slice %arg5[%add3A_31, %dma_wait3A_51, %dma_wait3A_52] : memref<79x2x128xi32, #tpu.memory_space<vmem>> -> memref<1x1x128xi32, #tpu.memory_space<vmem>>
      %dma_wait3A_54 = tpu.memref_squeeze %dma_wait3A_53 : memref<1x1x128xi32, #tpu.memory_space<vmem>> -> memref<128xi32, #tpu.memory_space<vmem>>
      %dma_wait3A_55 = arith.constant 0 : i32
      %dma_wait3A_56 = arith.constant 0 : i32
      %dma_wait3A_57 = tpu.memref_slice %arg7[%dma_wait3A_55, %dma_wait3A_56] : memref<10240x128xf32, #tpu.memory_space<vmem_shared>> -> memref<10240x128xf32, #tpu.memory_space<vmem_shared>>
      tpu.wait_indirect_dma semaphore(%arg9 : memref<!tpu.dma_semaphore, #tpu.memory_space<semaphore_mem>>) src(%arg6 : memref<128x128xf32, #tpu.memory_space<vmem>>) dst(%dma_wait3A_57 : memref<10240x128xf32, #tpu.memory_space<vmem_shared>>)
    }
    %scan3A_21 = arith.constant 79 : i32
    %barrier3A_22 = arith.constant 0 : index
    tpu.barrier barrier_id(%barrier3A_22)
    %mul3A_23 = arith.constant 640 : i32
    %mul3A_24 = arith.muli %arg1, %mul3A_23 : i32
    %mul3A_25 = arith.constant 640 : i32
    %mul3A_26 = arith.muli %arg1, %mul3A_25 : i32
    "tpu.region"() ({
      %run_scoped3A = tpu.sem_alloc : memref<!tpu.dma_semaphore, #tpu.memory_space<semaphore_mem>>
      %dma_start3A = arith.constant 0 : i32
      %dma_start3A_27 = tpu.memref_slice %arg4[%arg0, %mul3A_26, %dma_start3A] : memref<2x10240x128xf32, #tpu.memory_space<hbm>> -> memref<1x640x128xf32, #tpu.memory_space<hbm>>
      %dma_start3A_28 = tpu.memref_squeeze %dma_start3A_27 : memref<1x640x128xf32, #tpu.memory_space<hbm>> -> memref<640x128xf32, #tpu.memory_space<hbm>>
      %dma_start3A_29 = arith.constant 0 : i32
      %dma_start3A_30 = tpu.memref_slice %arg7[%mul3A_24, %dma_start3A_29] : memref<10240x128xf32, #tpu.memory_space<vmem_shared>> -> memref<640x128xf32, #tpu.memory_space<vmem_shared>>
      tpu.enqueue_dma source(%dma_start3A_30 : memref<640x128xf32, #tpu.memory_space<vmem_shared>>) target(%dma_start3A_28 : memref<640x128xf32, #tpu.memory_space<hbm>>) target_semaphore(%run_scoped3A : memref<!tpu.dma_semaphore, #tpu.memory_space<semaphore_mem>>)
      %dma_wait3A = arith.constant 0 : i32
      %dma_wait3A_31 = tpu.memref_slice %arg4[%arg0, %mul3A_26, %dma_wait3A] : memref<2x10240x128xf32, #tpu.memory_space<hbm>> -> memref<1x640x128xf32, #tpu.memory_space<hbm>>
      %dma_wait3A_32 = tpu.memref_squeeze %dma_wait3A_31 : memref<1x640x128xf32, #tpu.memory_space<hbm>> -> memref<640x128xf32, #tpu.memory_space<hbm>>
      %dma_wait3A_33 = arith.constant 0 : i32
      %dma_wait3A_34 = tpu.memref_slice %arg7[%mul3A_24, %dma_wait3A_33] : memref<10240x128xf32, #tpu.memory_space<vmem_shared>> -> memref<640x128xf32, #tpu.memory_space<vmem_shared>>
      tpu.wait_dma2 semaphore(%run_scoped3A : memref<!tpu.dma_semaphore, #tpu.memory_space<semaphore_mem>>) src(%dma_wait3A_34 : memref<640x128xf32, #tpu.memory_space<vmem_shared>>) dst(%dma_wait3A_32 : memref<640x128xf32, #tpu.memory_space<hbm>>)
      tpu.yield
    }) : () -> ()
    return
  }
}

#map = affine_map<(d0, d1) -> (0, 0)>
#map1 = affine_map<(d0, d1) -> (0, 0, 0, 0)>
#map2 = affine_map<(d0, d1) -> (0, 0, 0)>
module attributes {stable_mosaic.version = 14 : i64} {
  func.func @_mp_kernel(%arg0: i32, %arg1: i32, %arg2: memref<10000x128xf32, #tpu.memory_space<hbm>>, %arg3: memref<32x79x2x128xi32, #tpu.memory_space<hbm>>, %arg4: memref<2x10240x128xf32, #tpu.memory_space<hbm>>, %arg5: memref<79x2x128xi32, #tpu.memory_space<vmem>>, %arg6: memref<128x128xf32, #tpu.memory_space<vmem>>, %arg7: memref<10240x128xf32, #tpu.memory_space<vmem_shared>>, %arg8: memref<!tpu.dma_semaphore, #tpu.memory_space<semaphore_mem>>, %arg9: memref<!tpu.dma_semaphore, #tpu.memory_space<semaphore_mem>>) attributes {dimension_semantics = [#tpu.dimension_semantics<core_parallel>, #tpu.dimension_semantics<subcore_parallel>], iteration_bounds = array<i64: 2, 16>, scalar_prefetch = 0 : i64, scratch_operands = 5 : i64, tpu.core_type = #tpu.core_type<sc_vector_subcore>, window_params = [{transform_indices = #map}, {transform_indices = #map1}, {transform_indices = #map2}]} {
    %mul3A = arith.constant 16 : i32
    %mul3A_0 = arith.muli %arg0, %mul3A : i32
    %add3A = arith.addi %mul3A_0, %arg1 : i32
    %scan3A = arith.constant 0 : i32
    %scan3A_1 = arith.constant 128 : i32
    %scan3A_2 = arith.addi %scan3A, %scan3A_1 : i32
    %scan3A_3 = arith.constant 1 : i32
    scf.for %scan3A_27 = %scan3A to %scan3A_2 step %scan3A_3  : i32 {
      %mul3A_28 = arith.constant 1 : i32
      %mul3A_29 = arith.muli %scan3A_27, %mul3A_28 : i32
      %add3A_30 = arith.constant 0 : i32
      %add3A_31 = arith.addi %add3A_30, %mul3A_29 : i32
      %scan3A_32 = arith.constant 0 : i32
      %scan3A_33 = arith.constant 8 : i32
      %scan3A_34 = arith.addi %scan3A_32, %scan3A_33 : i32
      %scan3A_35 = arith.constant 1 : i32
      scf.for %scan3A_37 = %scan3A_32 to %scan3A_34 step %scan3A_35  : i32 {
        %mul3A_38 = arith.constant 16 : i32
        %mul3A_39 = arith.muli %scan3A_37, %mul3A_38 : i32
        %add3A_40 = arith.constant 0 : i32
        %add3A_41 = arith.addi %add3A_40, %mul3A_39 : i32
        %broadcast_in_dim3A = arith.constant 0.000000e+00 : f32
        %broadcast_in_dim3A_42 = vector.broadcast %broadcast_in_dim3A : f32 to vector<16xf32>
        %swap3A = arith.index_cast %add3A_31 : i32 to index
        %swap3A_43 = arith.index_cast %add3A_41 : i32 to index
        %swap3A_44 = tpu.vector_load %arg6[%swap3A, %swap3A_43] {strides = array<i32>} : memref<128x128xf32, #tpu.memory_space<vmem>>, vector<1x16xf32>,
        %swap3A_45 = vector.shape_cast %swap3A_44 : vector<1x16xf32> to vector<16xf32>
        %swap3A_46 = vector.shape_cast %broadcast_in_dim3A_42 : vector<16xf32> to vector<1x16xf32>
        tpu.vector_store %arg6[%swap3A, %swap3A_43], %swap3A_46 {strides = array<i32>} : memref<128x128xf32, #tpu.memory_space<vmem>>, vector<1x16xf32>,
      }
      %scan3A_36 = arith.constant 8 : i32
    }
    %scan3A_4 = arith.constant 128 : i32
    %mul3A_5 = arith.constant 640 : i32
    %mul3A_6 = arith.muli %arg1, %mul3A_5 : i32
    %add3A_7 = arith.constant 0 : i32
    %add3A_8 = arith.addi %mul3A_6, %add3A_7 : i32
    "tpu.region"() ({
      %run_scoped3A = tpu.sem_alloc : memref<!tpu.dma_semaphore, #tpu.memory_space<semaphore_mem>>
      %dma_start3A = arith.constant 0 : i32
      %dma_start3A_27 = tpu.memref_slice %arg7[%add3A_8, %dma_start3A] : memref<10240x128xf32, #tpu.memory_space<vmem_shared>> -> memref<128x128xf32, #tpu.memory_space<vmem_shared>>
      %dma_start3A_28 = arith.constant 0 : i32
      %dma_start3A_29 = tpu.memref_slice %arg7[%add3A_8, %dma_start3A_28] : memref<10240x128xf32, #tpu.memory_space<vmem_shared>> -> memref<128x128xf32, #tpu.memory_space<vmem_shared>>
      tpu.enqueue_dma source(%arg6 : memref<128x128xf32, #tpu.memory_space<vmem>>) target(%dma_start3A_29 : memref<128x128xf32, #tpu.memory_space<vmem_shared>>) target_semaphore(%run_scoped3A : memref<!tpu.dma_semaphore, #tpu.memory_space<semaphore_mem>>)
      %dma_wait3A = arith.constant 0 : i32
      %dma_wait3A_30 = tpu.memref_slice %arg7[%add3A_8, %dma_wait3A] : memref<10240x128xf32, #tpu.memory_space<vmem_shared>> -> memref<128x128xf32, #tpu.memory_space<vmem_shared>>
      %dma_wait3A_31 = arith.constant 0 : i32
      %dma_wait3A_32 = tpu.memref_slice %arg7[%add3A_8, %dma_wait3A_31] : memref<10240x128xf32, #tpu.memory_space<vmem_shared>> -> memref<128x128xf32, #tpu.memory_space<vmem_shared>>
      tpu.wait_dma2 semaphore(%run_scoped3A : memref<!tpu.dma_semaphore, #tpu.memory_space<semaphore_mem>>) src(%arg6 : memref<128x128xf32, #tpu.memory_space<vmem>>) dst(%dma_wait3A_32 : memref<128x128xf32, #tpu.memory_space<vmem_shared>>)
      tpu.yield
    }) : () -> ()
    %add3A_9 = arith.constant 128 : i32
    %add3A_10 = arith.addi %mul3A_6, %add3A_9 : i32
    "tpu.region"() ({
      %run_scoped3A = tpu.sem_alloc : memref<!tpu.dma_semaphore, #tpu.memory_space<semaphore_mem>>
      %dma_start3A = arith.constant 0 : i32
      %dma_start3A_27 = tpu.memref_slice %arg7[%add3A_10, %dma_start3A] : memref<10240x128xf32, #tpu.memory_space<vmem_shared>> -> memref<128x128xf32, #tpu.memory_space<vmem_shared>>
      %dma_start3A_28 = arith.constant 0 : i32
      %dma_start3A_29 = tpu.memref_slice %arg7[%add3A_10, %dma_start3A_28] : memref<10240x128xf32, #tpu.memory_space<vmem_shared>> -> memref<128x128xf32, #tpu.memory_space<vmem_shared>>
      tpu.enqueue_dma source(%arg6 : memref<128x128xf32, #tpu.memory_space<vmem>>) target(%dma_start3A_29 : memref<128x128xf32, #tpu.memory_space<vmem_shared>>) target_semaphore(%run_scoped3A : memref<!tpu.dma_semaphore, #tpu.memory_space<semaphore_mem>>)
      %dma_wait3A = arith.constant 0 : i32
      %dma_wait3A_30 = tpu.memref_slice %arg7[%add3A_10, %dma_wait3A] : memref<10240x128xf32, #tpu.memory_space<vmem_shared>> -> memref<128x128xf32, #tpu.memory_space<vmem_shared>>
      %dma_wait3A_31 = arith.constant 0 : i32
      %dma_wait3A_32 = tpu.memref_slice %arg7[%add3A_10, %dma_wait3A_31] : memref<10240x128xf32, #tpu.memory_space<vmem_shared>> -> memref<128x128xf32, #tpu.memory_space<vmem_shared>>
      tpu.wait_dma2 semaphore(%run_scoped3A : memref<!tpu.dma_semaphore, #tpu.memory_space<semaphore_mem>>) src(%arg6 : memref<128x128xf32, #tpu.memory_space<vmem>>) dst(%dma_wait3A_32 : memref<128x128xf32, #tpu.memory_space<vmem_shared>>)
      tpu.yield
    }) : () -> ()
    %add3A_11 = arith.constant 256 : i32
    %add3A_12 = arith.addi %mul3A_6, %add3A_11 : i32
    "tpu.region"() ({
      %run_scoped3A = tpu.sem_alloc : memref<!tpu.dma_semaphore, #tpu.memory_space<semaphore_mem>>
      %dma_start3A = arith.constant 0 : i32
      %dma_start3A_27 = tpu.memref_slice %arg7[%add3A_12, %dma_start3A] : memref<10240x128xf32, #tpu.memory_space<vmem_shared>> -> memref<128x128xf32, #tpu.memory_space<vmem_shared>>
      %dma_start3A_28 = arith.constant 0 : i32
      %dma_start3A_29 = tpu.memref_slice %arg7[%add3A_12, %dma_start3A_28] : memref<10240x128xf32, #tpu.memory_space<vmem_shared>> -> memref<128x128xf32, #tpu.memory_space<vmem_shared>>
      tpu.enqueue_dma source(%arg6 : memref<128x128xf32, #tpu.memory_space<vmem>>) target(%dma_start3A_29 : memref<128x128xf32, #tpu.memory_space<vmem_shared>>) target_semaphore(%run_scoped3A : memref<!tpu.dma_semaphore, #tpu.memory_space<semaphore_mem>>)
      %dma_wait3A = arith.constant 0 : i32
      %dma_wait3A_30 = tpu.memref_slice %arg7[%add3A_12, %dma_wait3A] : memref<10240x128xf32, #tpu.memory_space<vmem_shared>> -> memref<128x128xf32, #tpu.memory_space<vmem_shared>>
      %dma_wait3A_31 = arith.constant 0 : i32
      %dma_wait3A_32 = tpu.memref_slice %arg7[%add3A_12, %dma_wait3A_31] : memref<10240x128xf32, #tpu.memory_space<vmem_shared>> -> memref<128x128xf32, #tpu.memory_space<vmem_shared>>
      tpu.wait_dma2 semaphore(%run_scoped3A : memref<!tpu.dma_semaphore, #tpu.memory_space<semaphore_mem>>) src(%arg6 : memref<128x128xf32, #tpu.memory_space<vmem>>) dst(%dma_wait3A_32 : memref<128x128xf32, #tpu.memory_space<vmem_shared>>)
      tpu.yield
    }) : () -> ()
    %add3A_13 = arith.constant 384 : i32
    %add3A_14 = arith.addi %mul3A_6, %add3A_13 : i32
    "tpu.region"() ({
      %run_scoped3A = tpu.sem_alloc : memref<!tpu.dma_semaphore, #tpu.memory_space<semaphore_mem>>
      %dma_start3A = arith.constant 0 : i32
      %dma_start3A_27 = tpu.memref_slice %arg7[%add3A_14, %dma_start3A] : memref<10240x128xf32, #tpu.memory_space<vmem_shared>> -> memref<128x128xf32, #tpu.memory_space<vmem_shared>>
      %dma_start3A_28 = arith.constant 0 : i32
      %dma_start3A_29 = tpu.memref_slice %arg7[%add3A_14, %dma_start3A_28] : memref<10240x128xf32, #tpu.memory_space<vmem_shared>> -> memref<128x128xf32, #tpu.memory_space<vmem_shared>>
      tpu.enqueue_dma source(%arg6 : memref<128x128xf32, #tpu.memory_space<vmem>>) target(%dma_start3A_29 : memref<128x128xf32, #tpu.memory_space<vmem_shared>>) target_semaphore(%run_scoped3A : memref<!tpu.dma_semaphore, #tpu.memory_space<semaphore_mem>>)
      %dma_wait3A = arith.constant 0 : i32
      %dma_wait3A_30 = tpu.memref_slice %arg7[%add3A_14, %dma_wait3A] : memref<10240x128xf32, #tpu.memory_space<vmem_shared>> -> memref<128x128xf32, #tpu.memory_space<vmem_shared>>
      %dma_wait3A_31 = arith.constant 0 : i32
      %dma_wait3A_32 = tpu.memref_slice %arg7[%add3A_14, %dma_wait3A_31] : memref<10240x128xf32, #tpu.memory_space<vmem_shared>> -> memref<128x128xf32, #tpu.memory_space<vmem_shared>>
      tpu.wait_dma2 semaphore(%run_scoped3A : memref<!tpu.dma_semaphore, #tpu.memory_space<semaphore_mem>>) src(%arg6 : memref<128x128xf32, #tpu.memory_space<vmem>>) dst(%dma_wait3A_32 : memref<128x128xf32, #tpu.memory_space<vmem_shared>>)
      tpu.yield
    }) : () -> ()
    %add3A_15 = arith.constant 512 : i32
    %add3A_16 = arith.addi %mul3A_6, %add3A_15 : i32
    "tpu.region"() ({
      %run_scoped3A = tpu.sem_alloc : memref<!tpu.dma_semaphore, #tpu.memory_space<semaphore_mem>>
      %dma_start3A = arith.constant 0 : i32
      %dma_start3A_27 = tpu.memref_slice %arg7[%add3A_16, %dma_start3A] : memref<10240x128xf32, #tpu.memory_space<vmem_shared>> -> memref<128x128xf32, #tpu.memory_space<vmem_shared>>
      %dma_start3A_28 = arith.constant 0 : i32
      %dma_start3A_29 = tpu.memref_slice %arg7[%add3A_16, %dma_start3A_28] : memref<10240x128xf32, #tpu.memory_space<vmem_shared>> -> memref<128x128xf32, #tpu.memory_space<vmem_shared>>
      tpu.enqueue_dma source(%arg6 : memref<128x128xf32, #tpu.memory_space<vmem>>) target(%dma_start3A_29 : memref<128x128xf32, #tpu.memory_space<vmem_shared>>) target_semaphore(%run_scoped3A : memref<!tpu.dma_semaphore, #tpu.memory_space<semaphore_mem>>)
      %dma_wait3A = arith.constant 0 : i32
      %dma_wait3A_30 = tpu.memref_slice %arg7[%add3A_16, %dma_wait3A] : memref<10240x128xf32, #tpu.memory_space<vmem_shared>> -> memref<128x128xf32, #tpu.memory_space<vmem_shared>>
      %dma_wait3A_31 = arith.constant 0 : i32
      %dma_wait3A_32 = tpu.memref_slice %arg7[%add3A_16, %dma_wait3A_31] : memref<10240x128xf32, #tpu.memory_space<vmem_shared>> -> memref<128x128xf32, #tpu.memory_space<vmem_shared>>
      tpu.wait_dma2 semaphore(%run_scoped3A : memref<!tpu.dma_semaphore, #tpu.memory_space<semaphore_mem>>) src(%arg6 : memref<128x128xf32, #tpu.memory_space<vmem>>) dst(%dma_wait3A_32 : memref<128x128xf32, #tpu.memory_space<vmem_shared>>)
      tpu.yield
    }) : () -> ()
    "tpu.region"() ({
      %run_scoped3A = tpu.sem_alloc : memref<!tpu.dma_semaphore, #tpu.memory_space<semaphore_mem>>
      %dma_start3A = arith.constant 0 : i32
      %dma_start3A_27 = arith.constant 0 : i32
      %dma_start3A_28 = arith.constant 0 : i32
      %dma_start3A_29 = tpu.memref_slice %arg3[%add3A, %dma_start3A, %dma_start3A_27, %dma_start3A_28] : memref<32x79x2x128xi32, #tpu.memory_space<hbm>> -> memref<1x79x2x128xi32, #tpu.memory_space<hbm>>
      %dma_start3A_30 = tpu.memref_squeeze %dma_start3A_29 : memref<1x79x2x128xi32, #tpu.memory_space<hbm>> -> memref<79x2x128xi32, #tpu.memory_space<hbm>>
      %dma_start3A_31 = arith.constant 0 : i32
      %dma_start3A_32 = arith.constant 0 : i32
      %dma_start3A_33 = arith.constant 0 : i32
      %dma_start3A_34 = tpu.memref_slice %arg3[%add3A, %dma_start3A_31, %dma_start3A_32, %dma_start3A_33] : memref<32x79x2x128xi32, #tpu.memory_space<hbm>> -> memref<1x79x2x128xi32, #tpu.memory_space<hbm>>
      %dma_start3A_35 = tpu.memref_squeeze %dma_start3A_34 : memref<1x79x2x128xi32, #tpu.memory_space<hbm>> -> memref<79x2x128xi32, #tpu.memory_space<hbm>>
      tpu.enqueue_dma source(%dma_start3A_35 : memref<79x2x128xi32, #tpu.memory_space<hbm>>) target(%arg5 : memref<79x2x128xi32, #tpu.memory_space<vmem>>) target_semaphore(%run_scoped3A : memref<!tpu.dma_semaphore, #tpu.memory_space<semaphore_mem>>)
      %dma_wait3A = arith.constant 0 : i32
      %dma_wait3A_36 = arith.constant 0 : i32
      %dma_wait3A_37 = arith.constant 0 : i32
      %dma_wait3A_38 = tpu.memref_slice %arg3[%add3A, %dma_wait3A, %dma_wait3A_36, %dma_wait3A_37] : memref<32x79x2x128xi32, #tpu.memory_space<hbm>> -> memref<1x79x2x128xi32, #tpu.memory_space<hbm>>
      %dma_wait3A_39 = tpu.memref_squeeze %dma_wait3A_38 : memref<1x79x2x128xi32, #tpu.memory_space<hbm>> -> memref<79x2x128xi32, #tpu.memory_space<hbm>>
      %dma_wait3A_40 = arith.constant 0 : i32
      %dma_wait3A_41 = arith.constant 0 : i32
      %dma_wait3A_42 = arith.constant 0 : i32
      %dma_wait3A_43 = tpu.memref_slice %arg3[%add3A, %dma_wait3A_40, %dma_wait3A_41, %dma_wait3A_42] : memref<32x79x2x128xi32, #tpu.memory_space<hbm>> -> memref<1x79x2x128xi32, #tpu.memory_space<hbm>>
      %dma_wait3A_44 = tpu.memref_squeeze %dma_wait3A_43 : memref<1x79x2x128xi32, #tpu.memory_space<hbm>> -> memref<79x2x128xi32, #tpu.memory_space<hbm>>
      tpu.wait_dma2 semaphore(%run_scoped3A : memref<!tpu.dma_semaphore, #tpu.memory_space<semaphore_mem>>) src(%dma_wait3A_44 : memref<79x2x128xi32, #tpu.memory_space<hbm>>) dst(%arg5 : memref<79x2x128xi32, #tpu.memory_space<vmem>>)
      tpu.yield
    }) : () -> ()
    %barrier3A = arith.constant 0 : index
    tpu.barrier barrier_id(%barrier3A)
    %scan3A_17 = arith.constant 0 : i32
    %scan3A_18 = arith.constant 79 : i32
    %scan3A_19 = arith.addi %scan3A_17, %scan3A_18 : i32
    %scan3A_20 = arith.constant 1 : i32
    scf.for %scan3A_27 = %scan3A_17 to %scan3A_19 step %scan3A_20  : i32 {
      %mul3A_28 = arith.constant 1 : i32
      %mul3A_29 = arith.muli %scan3A_27, %mul3A_28 : i32
      %add3A_30 = arith.constant 0 : i32
      %add3A_31 = arith.addi %add3A_30, %mul3A_29 : i32
      %dma_start3A = arith.constant 0 : i32
      %dma_start3A_32 = arith.constant 0 : i32
      %dma_start3A_33 = tpu.memref_slice %arg5[%add3A_31, %dma_start3A, %dma_start3A_32] : memref<79x2x128xi32, #tpu.memory_space<vmem>> -> memref<1x1x128xi32, #tpu.memory_space<vmem>>
      %dma_start3A_34 = tpu.memref_squeeze %dma_start3A_33 : memref<1x1x128xi32, #tpu.memory_space<vmem>> -> memref<128xi32, #tpu.memory_space<vmem>>
      %dma_start3A_35 = arith.constant 0 : i32
      %dma_start3A_36 = arith.constant 0 : i32
      %dma_start3A_37 = tpu.memref_slice %arg2[%dma_start3A_35, %dma_start3A_36] : memref<10000x128xf32, #tpu.memory_space<hbm>> -> memref<10000x128xf32, #tpu.memory_space<hbm>>
      tpu.enqueue_indirect_dma source(%dma_start3A_37 : memref<10000x128xf32, #tpu.memory_space<hbm>>) target(%arg6 : memref<128x128xf32, #tpu.memory_space<vmem>>) offsets(%dma_start3A_34 : memref<128xi32, #tpu.memory_space<vmem>>) semaphore(%arg8 : memref<!tpu.dma_semaphore, #tpu.memory_space<semaphore_mem>>)
      %dma_wait3A = arith.constant 0 : i32
      %dma_wait3A_38 = arith.constant 0 : i32
      %dma_wait3A_39 = tpu.memref_slice %arg5[%add3A_31, %dma_wait3A, %dma_wait3A_38] : memref<79x2x128xi32, #tpu.memory_space<vmem>> -> memref<1x1x128xi32, #tpu.memory_space<vmem>>
      %dma_wait3A_40 = tpu.memref_squeeze %dma_wait3A_39 : memref<1x1x128xi32, #tpu.memory_space<vmem>> -> memref<128xi32, #tpu.memory_space<vmem>>
      %dma_wait3A_41 = arith.constant 0 : i32
      %dma_wait3A_42 = arith.constant 0 : i32
      %dma_wait3A_43 = tpu.memref_slice %arg2[%dma_wait3A_41, %dma_wait3A_42] : memref<10000x128xf32, #tpu.memory_space<hbm>> -> memref<10000x128xf32, #tpu.memory_space<hbm>>
      tpu.wait_indirect_dma semaphore(%arg8 : memref<!tpu.dma_semaphore, #tpu.memory_space<semaphore_mem>>) src(%dma_wait3A_43 : memref<10000x128xf32, #tpu.memory_space<hbm>>) dst(%arg6 : memref<128x128xf32, #tpu.memory_space<vmem>>)
      %dma_start3A_44 = arith.constant 1 : i32
      %dma_start3A_45 = arith.constant 0 : i32
      %dma_start3A_46 = tpu.memref_slice %arg5[%add3A_31, %dma_start3A_44, %dma_start3A_45] : memref<79x2x128xi32, #tpu.memory_space<vmem>> -> memref<1x1x128xi32, #tpu.memory_space<vmem>>
      %dma_start3A_47 = tpu.memref_squeeze %dma_start3A_46 : memref<1x1x128xi32, #tpu.memory_space<vmem>> -> memref<128xi32, #tpu.memory_space<vmem>>
      %dma_start3A_48 = arith.constant 0 : i32
      %dma_start3A_49 = arith.constant 0 : i32
      %dma_start3A_50 = tpu.memref_slice %arg7[%dma_start3A_48, %dma_start3A_49] : memref<10240x128xf32, #tpu.memory_space<vmem_shared>> -> memref<10240x128xf32, #tpu.memory_space<vmem_shared>>
      tpu.enqueue_indirect_dma source(%arg6 : memref<128x128xf32, #tpu.memory_space<vmem>>) target(%dma_start3A_50 : memref<10240x128xf32, #tpu.memory_space<vmem_shared>>) offsets(%dma_start3A_47 : memref<128xi32, #tpu.memory_space<vmem>>) semaphore(%arg9 : memref<!tpu.dma_semaphore, #tpu.memory_space<semaphore_mem>>) {add = true}
      %dma_wait3A_51 = arith.constant 1 : i32
      %dma_wait3A_52 = arith.constant 0 : i32
      %dma_wait3A_53 = tpu.memref_slice %arg5[%add3A_31, %dma_wait3A_51, %dma_wait3A_52] : memref<79x2x128xi32, #tpu.memory_space<vmem>> -> memref<1x1x128xi32, #tpu.memory_space<vmem>>
      %dma_wait3A_54 = tpu.memref_squeeze %dma_wait3A_53 : memref<1x1x128xi32, #tpu.memory_space<vmem>> -> memref<128xi32, #tpu.memory_space<vmem>>
      %dma_wait3A_55 = arith.constant 0 : i32
      %dma_wait3A_56 = arith.constant 0 : i32
      %dma_wait3A_57 = tpu.memref_slice %arg7[%dma_wait3A_55, %dma_wait3A_56] : memref<10240x128xf32, #tpu.memory_space<vmem_shared>> -> memref<10240x128xf32, #tpu.memory_space<vmem_shared>>
      tpu.wait_indirect_dma semaphore(%arg9 : memref<!tpu.dma_semaphore, #tpu.memory_space<semaphore_mem>>) src(%arg6 : memref<128x128xf32, #tpu.memory_space<vmem>>) dst(%dma_wait3A_57 : memref<10240x128xf32, #tpu.memory_space<vmem_shared>>)
    }
    %scan3A_21 = arith.constant 79 : i32
    %barrier3A_22 = arith.constant 0 : index
    tpu.barrier barrier_id(%barrier3A_22)
    %mul3A_23 = arith.constant 640 : i32
    %mul3A_24 = arith.muli %arg1, %mul3A_23 : i32
    %mul3A_25 = arith.constant 640 : i32
    %mul3A_26 = arith.muli %arg1, %mul3A_25 : i32
    "tpu.region"() ({
      %run_scoped3A = tpu.sem_alloc : memref<!tpu.dma_semaphore, #tpu.memory_space<semaphore_mem>>
      %dma_start3A = arith.constant 0 : i32
      %dma_start3A_27 = tpu.memref_slice %arg4[%arg0, %mul3A_26, %dma_start3A] : memref<2x10240x128xf32, #tpu.memory_space<hbm>> -> memref<1x640x128xf32, #tpu.memory_space<hbm>>
      %dma_start3A_28 = tpu.memref_squeeze %dma_start3A_27 : memref<1x640x128xf32, #tpu.memory_space<hbm>> -> memref<640x128xf32, #tpu.memory_space<hbm>>
      %dma_start3A_29 = arith.constant 0 : i32
      %dma_start3A_30 = tpu.memref_slice %arg7[%mul3A_24, %dma_start3A_29] : memref<10240x128xf32, #tpu.memory_space<vmem_shared>> -> memref<640x128xf32, #tpu.memory_space<vmem_shared>>
      tpu.enqueue_dma source(%dma_start3A_30 : memref<640x128xf32, #tpu.memory_space<vmem_shared>>) target(%dma_start3A_28 : memref<640x128xf32, #tpu.memory_space<hbm>>) target_semaphore(%run_scoped3A : memref<!tpu.dma_semaphore, #tpu.memory_space<semaphore_mem>>)
      %dma_wait3A = arith.constant 0 : i32
      %dma_wait3A_31 = tpu.memref_slice %arg4[%arg0, %mul3A_26, %dma_wait3A] : memref<2x10240x128xf32, #tpu.memory_space<hbm>> -> memref<1x640x128xf32, #tpu.memory_space<hbm>>
      %dma_wait3A_32 = tpu.memref_squeeze %dma_wait3A_31 : memref<1x640x128xf32, #tpu.memory_space<hbm>> -> memref<640x128xf32, #tpu.memory_space<hbm>>
      %dma_wait3A_33 = arith.constant 0 : i32
      %dma_wait3A_34 = tpu.memref_slice %arg7[%mul3A_24, %dma_wait3A_33] : memref<10240x128xf32, #tpu.memory_space<vmem_shared>> -> memref<640x128xf32, #tpu.memory_space<vmem_shared>>
      tpu.wait_dma2 semaphore(%run_scoped3A : memref<!tpu.dma_semaphore, #tpu.memory_space<semaphore_mem>>) src(%dma_wait3A_34 : memref<640x128xf32, #tpu.memory_space<vmem_shared>>) dst(%dma_wait3A_32 : memref<640x128xf32, #tpu.memory_space<hbm>>)
      tpu.yield
    }) : () -> ()
    return
  }
}

#map = affine_map<(d0, d1) -> (0, 0, 0, 0)>
#map1 = affine_map<(d0, d1) -> (0, 0)>
module attributes {stable_mosaic.version = 14 : i64} {
  func.func @_deg_kernel(%arg0: i32, %arg1: i32, %arg2: memref<32x79x2x128xi32, #tpu.memory_space<hbm>>, %arg3: memref<2x10240xf32, #tpu.memory_space<hbm>>, %arg4: memref<79x2x128xi32, #tpu.memory_space<vmem>>, %arg5: memref<128xf32, #tpu.memory_space<vmem>>, %arg6: memref<640xf32, #tpu.memory_space<vmem>>, %arg7: memref<10240xf32, #tpu.memory_space<vmem_shared>>) attributes {dimension_semantics = [#tpu.dimension_semantics<core_parallel>, #tpu.dimension_semantics<subcore_parallel>], iteration_bounds = array<i64: 2, 16>, scalar_prefetch = 0 : i64, scratch_operands = 4 : i64, tpu.core_type = #tpu.core_type<sc_vector_subcore>, window_params = [{transform_indices = #map}, {transform_indices = #map1}]} {
    %mul3A = arith.constant 16 : i32
    %mul3A_0 = arith.muli %arg0, %mul3A : i32
    %add3A = arith.addi %mul3A_0, %arg1 : i32
    %scan3A = arith.constant 0 : i32
    %scan3A_1 = arith.constant 8 : i32
    %scan3A_2 = arith.addi %scan3A, %scan3A_1 : i32
    %scan3A_3 = arith.constant 1 : i32
    scf.for %scan3A_22 = %scan3A to %scan3A_2 step %scan3A_3  : i32 {
      %mul3A_23 = arith.constant 16 : i32
      %mul3A_24 = arith.muli %scan3A_22, %mul3A_23 : i32
      %add3A_25 = arith.constant 0 : i32
      %add3A_26 = arith.addi %add3A_25, %mul3A_24 : i32
      %broadcast_in_dim3A = arith.constant 1.000000e+00 : f32
      %broadcast_in_dim3A_27 = vector.broadcast %broadcast_in_dim3A : f32 to vector<16xf32>
      %swap3A = arith.index_cast %add3A_26 : i32 to index
      %swap3A_28 = tpu.vector_load %arg5[%swap3A] {strides = array<i32>} : memref<128xf32, #tpu.memory_space<vmem>>, vector<16xf32>,
      %swap3A_29 = vector.shape_cast %swap3A_28 : vector<16xf32> to vector<16xf32>
      %swap3A_30 = vector.shape_cast %broadcast_in_dim3A_27 : vector<16xf32> to vector<16xf32>
      tpu.vector_store %arg5[%swap3A], %swap3A_30 {strides = array<i32>} : memref<128xf32, #tpu.memory_space<vmem>>, vector<16xf32>,
    }
    %scan3A_4 = arith.constant 8 : i32
    %scan3A_5 = arith.constant 0 : i32
    %scan3A_6 = arith.constant 40 : i32
    %scan3A_7 = arith.addi %scan3A_5, %scan3A_6 : i32
    %scan3A_8 = arith.constant 1 : i32
    scf.for %scan3A_22 = %scan3A_5 to %scan3A_7 step %scan3A_8  : i32 {
      %mul3A_23 = arith.constant 16 : i32
      %mul3A_24 = arith.muli %scan3A_22, %mul3A_23 : i32
      %add3A_25 = arith.constant 0 : i32
      %add3A_26 = arith.addi %add3A_25, %mul3A_24 : i32
      %broadcast_in_dim3A = arith.constant 0.000000e+00 : f32
      %broadcast_in_dim3A_27 = vector.broadcast %broadcast_in_dim3A : f32 to vector<16xf32>
      %swap3A = arith.index_cast %add3A_26 : i32 to index
      %swap3A_28 = tpu.vector_load %arg6[%swap3A] {strides = array<i32>} : memref<640xf32, #tpu.memory_space<vmem>>, vector<16xf32>,
      %swap3A_29 = vector.shape_cast %swap3A_28 : vector<16xf32> to vector<16xf32>
      %swap3A_30 = vector.shape_cast %broadcast_in_dim3A_27 : vector<16xf32> to vector<16xf32>
      tpu.vector_store %arg6[%swap3A], %swap3A_30 {strides = array<i32>} : memref<640xf32, #tpu.memory_space<vmem>>, vector<16xf32>,
    }
    %scan3A_9 = arith.constant 40 : i32
    %mul3A_10 = arith.constant 640 : i32
    %mul3A_11 = arith.muli %arg1, %mul3A_10 : i32
    "tpu.region"() ({
      %run_scoped3A = tpu.sem_alloc : memref<!tpu.dma_semaphore, #tpu.memory_space<semaphore_mem>>
      %dma_start3A = tpu.memref_slice %arg7[%mul3A_11] : memref<10240xf32, #tpu.memory_space<vmem_shared>> -> memref<640xf32, #tpu.memory_space<vmem_shared>>
      %dma_start3A_22 = tpu.memref_slice %arg7[%mul3A_11] : memref<10240xf32, #tpu.memory_space<vmem_shared>> -> memref<640xf32, #tpu.memory_space<vmem_shared>>
      tpu.enqueue_dma source(%arg6 : memref<640xf32, #tpu.memory_space<vmem>>) target(%dma_start3A_22 : memref<640xf32, #tpu.memory_space<vmem_shared>>) target_semaphore(%run_scoped3A : memref<!tpu.dma_semaphore, #tpu.memory_space<semaphore_mem>>)
      %dma_wait3A = tpu.memref_slice %arg7[%mul3A_11] : memref<10240xf32, #tpu.memory_space<vmem_shared>> -> memref<640xf32, #tpu.memory_space<vmem_shared>>
      %dma_wait3A_23 = tpu.memref_slice %arg7[%mul3A_11] : memref<10240xf32, #tpu.memory_space<vmem_shared>> -> memref<640xf32, #tpu.memory_space<vmem_shared>>
      tpu.wait_dma2 semaphore(%run_scoped3A : memref<!tpu.dma_semaphore, #tpu.memory_space<semaphore_mem>>) src(%arg6 : memref<640xf32, #tpu.memory_space<vmem>>) dst(%dma_wait3A_23 : memref<640xf32, #tpu.memory_space<vmem_shared>>)
      tpu.yield
    }) : () -> ()
    "tpu.region"() ({
      %run_scoped3A = tpu.sem_alloc : memref<!tpu.dma_semaphore, #tpu.memory_space<semaphore_mem>>
      %dma_start3A = arith.constant 0 : i32
      %dma_start3A_22 = arith.constant 0 : i32
      %dma_start3A_23 = arith.constant 0 : i32
      %dma_start3A_24 = tpu.memref_slice %arg2[%add3A, %dma_start3A, %dma_start3A_22, %dma_start3A_23] : memref<32x79x2x128xi32, #tpu.memory_space<hbm>> -> memref<1x79x2x128xi32, #tpu.memory_space<hbm>>
      %dma_start3A_25 = tpu.memref_squeeze %dma_start3A_24 : memref<1x79x2x128xi32, #tpu.memory_space<hbm>> -> memref<79x2x128xi32, #tpu.memory_space<hbm>>
      %dma_start3A_26 = arith.constant 0 : i32
      %dma_start3A_27 = arith.constant 0 : i32
      %dma_start3A_28 = arith.constant 0 : i32
      %dma_start3A_29 = tpu.memref_slice %arg2[%add3A, %dma_start3A_26, %dma_start3A_27, %dma_start3A_28] : memref<32x79x2x128xi32, #tpu.memory_space<hbm>> -> memref<1x79x2x128xi32, #tpu.memory_space<hbm>>
      %dma_start3A_30 = tpu.memref_squeeze %dma_start3A_29 : memref<1x79x2x128xi32, #tpu.memory_space<hbm>> -> memref<79x2x128xi32, #tpu.memory_space<hbm>>
      tpu.enqueue_dma source(%dma_start3A_30 : memref<79x2x128xi32, #tpu.memory_space<hbm>>) target(%arg4 : memref<79x2x128xi32, #tpu.memory_space<vmem>>) target_semaphore(%run_scoped3A : memref<!tpu.dma_semaphore, #tpu.memory_space<semaphore_mem>>)
      %dma_wait3A = arith.constant 0 : i32
      %dma_wait3A_31 = arith.constant 0 : i32
      %dma_wait3A_32 = arith.constant 0 : i32
      %dma_wait3A_33 = tpu.memref_slice %arg2[%add3A, %dma_wait3A, %dma_wait3A_31, %dma_wait3A_32] : memref<32x79x2x128xi32, #tpu.memory_space<hbm>> -> memref<1x79x2x128xi32, #tpu.memory_space<hbm>>
      %dma_wait3A_34 = tpu.memref_squeeze %dma_wait3A_33 : memref<1x79x2x128xi32, #tpu.memory_space<hbm>> -> memref<79x2x128xi32, #tpu.memory_space<hbm>>
      %dma_wait3A_35 = arith.constant 0 : i32
      %dma_wait3A_36 = arith.constant 0 : i32
      %dma_wait3A_37 = arith.constant 0 : i32
      %dma_wait3A_38 = tpu.memref_slice %arg2[%add3A, %dma_wait3A_35, %dma_wait3A_36, %dma_wait3A_37] : memref<32x79x2x128xi32, #tpu.memory_space<hbm>> -> memref<1x79x2x128xi32, #tpu.memory_space<hbm>>
      %dma_wait3A_39 = tpu.memref_squeeze %dma_wait3A_38 : memref<1x79x2x128xi32, #tpu.memory_space<hbm>> -> memref<79x2x128xi32, #tpu.memory_space<hbm>>
      tpu.wait_dma2 semaphore(%run_scoped3A : memref<!tpu.dma_semaphore, #tpu.memory_space<semaphore_mem>>) src(%dma_wait3A_39 : memref<79x2x128xi32, #tpu.memory_space<hbm>>) dst(%arg4 : memref<79x2x128xi32, #tpu.memory_space<vmem>>)
      tpu.yield
    }) : () -> ()
    %barrier3A = arith.constant 0 : index
    tpu.barrier barrier_id(%barrier3A)
    %scan3A_12 = arith.constant 0 : i32
    %scan3A_13 = arith.constant 79 : i32
    %scan3A_14 = arith.addi %scan3A_12, %scan3A_13 : i32
    %scan3A_15 = arith.constant 1 : i32
    scf.for %scan3A_22 = %scan3A_12 to %scan3A_14 step %scan3A_15  : i32 {
      %mul3A_23 = arith.constant 1 : i32
      %mul3A_24 = arith.muli %scan3A_22, %mul3A_23 : i32
      %add3A_25 = arith.constant 0 : i32
      %add3A_26 = arith.addi %add3A_25, %mul3A_24 : i32
      %run_scoped3A = arith.constant 1 : i32
      "tpu.region"() ({
        %run_scoped3A_27 = tpu.sem_alloc : memref<!tpu.dma_semaphore, #tpu.memory_space<semaphore_mem>>
        %dma_start3A = arith.constant 0 : i32
        %dma_start3A_28 = tpu.memref_slice %arg4[%add3A_26, %run_scoped3A, %dma_start3A] : memref<79x2x128xi32, #tpu.memory_space<vmem>> -> memref<1x1x128xi32, #tpu.memory_space<vmem>>
        %dma_start3A_29 = tpu.memref_squeeze %dma_start3A_28 : memref<1x1x128xi32, #tpu.memory_space<vmem>> -> memref<128xi32, #tpu.memory_space<vmem>>
        %dma_start3A_30 = arith.constant 0 : i32
        %dma_start3A_31 = tpu.memref_slice %arg7[%dma_start3A_30] : memref<10240xf32, #tpu.memory_space<vmem_shared>> -> memref<10240xf32, #tpu.memory_space<vmem_shared>>
        tpu.enqueue_indirect_dma source(%arg5 : memref<128xf32, #tpu.memory_space<vmem>>) target(%dma_start3A_31 : memref<10240xf32, #tpu.memory_space<vmem_shared>>) offsets(%dma_start3A_29 : memref<128xi32, #tpu.memory_space<vmem>>) semaphore(%run_scoped3A_27 : memref<!tpu.dma_semaphore, #tpu.memory_space<semaphore_mem>>) {add = true}
        %dma_wait3A = arith.constant 0 : i32
        %dma_wait3A_32 = tpu.memref_slice %arg4[%add3A_26, %run_scoped3A, %dma_wait3A] : memref<79x2x128xi32, #tpu.memory_space<vmem>> -> memref<1x1x128xi32, #tpu.memory_space<vmem>>
        %dma_wait3A_33 = tpu.memref_squeeze %dma_wait3A_32 : memref<1x1x128xi32, #tpu.memory_space<vmem>> -> memref<128xi32, #tpu.memory_space<vmem>>
        %dma_wait3A_34 = arith.constant 0 : i32
        %dma_wait3A_35 = tpu.memref_slice %arg7[%dma_wait3A_34] : memref<10240xf32, #tpu.memory_space<vmem_shared>> -> memref<10240xf32, #tpu.memory_space<vmem_shared>>
        tpu.wait_indirect_dma semaphore(%run_scoped3A_27 : memref<!tpu.dma_semaphore, #tpu.memory_space<semaphore_mem>>) src(%arg5 : memref<128xf32, #tpu.memory_space<vmem>>) dst(%dma_wait3A_35 : memref<10240xf32, #tpu.memory_space<vmem_shared>>)
        tpu.yield
      }) : () -> ()
    }
    %scan3A_16 = arith.constant 79 : i32
    %barrier3A_17 = arith.constant 0 : index
    tpu.barrier barrier_id(%barrier3A_17)
    %mul3A_18 = arith.constant 640 : i32
    %mul3A_19 = arith.muli %arg1, %mul3A_18 : i32
    %mul3A_20 = arith.constant 640 : i32
    %mul3A_21 = arith.muli %arg1, %mul3A_20 : i32
    "tpu.region"() ({
      %run_scoped3A = tpu.sem_alloc : memref<!tpu.dma_semaphore, #tpu.memory_space<semaphore_mem>>
      %dma_start3A = tpu.memref_slice %arg3[%arg0, %mul3A_21] : memref<2x10240xf32, #tpu.memory_space<hbm>> -> memref<1x640xf32, #tpu.memory_space<hbm>>
      %dma_start3A_22 = tpu.memref_squeeze %dma_start3A : memref<1x640xf32, #tpu.memory_space<hbm>> -> memref<640xf32, #tpu.memory_space<hbm>>
      %dma_start3A_23 = tpu.memref_slice %arg7[%mul3A_19] : memref<10240xf32, #tpu.memory_space<vmem_shared>> -> memref<640xf32, #tpu.memory_space<vmem_shared>>
      tpu.enqueue_dma source(%dma_start3A_23 : memref<640xf32, #tpu.memory_space<vmem_shared>>) target(%dma_start3A_22 : memref<640xf32, #tpu.memory_space<hbm>>) target_semaphore(%run_scoped3A : memref<!tpu.dma_semaphore, #tpu.memory_space<semaphore_mem>>)
      %dma_wait3A = tpu.memref_slice %arg3[%arg0, %mul3A_21] : memref<2x10240xf32, #tpu.memory_space<hbm>> -> memref<1x640xf32, #tpu.memory_space<hbm>>
      %dma_wait3A_24 = tpu.memref_squeeze %dma_wait3A : memref<1x640xf32, #tpu.memory_space<hbm>> -> memref<640xf32, #tpu.memory_space<hbm>>
      %dma_wait3A_25 = tpu.memref_slice %arg7[%mul3A_19] : memref<10240xf32, #tpu.memory_space<vmem_shared>> -> memref<640xf32, #tpu.memory_space<vmem_shared>>
      tpu.wait_dma2 semaphore(%run_scoped3A : memref<!tpu.dma_semaphore, #tpu.memory_space<semaphore_mem>>) src(%dma_wait3A_25 : memref<640xf32, #tpu.memory_space<vmem_shared>>) dst(%dma_wait3A_24 : memref<640xf32, #tpu.memory_space<hbm>>)
      tpu.yield
    }) : () -> ()
    return
  }
}

module attributes {stable_mosaic.version = 14 : i64} {
  func.func @_dense1_body(%arg0: i32, %arg1: memref<2048x128xf32, #tpu.memory_space<vmem>>, %arg2: memref<128x128xf32, #tpu.memory_space<vmem>>, %arg3: memref<128x128xf32, #tpu.memory_space<vmem>>, %arg4: memref<1x128xf32, #tpu.memory_space<vmem>>, %arg5: memref<2x2048xf32, #tpu.memory_space<vmem>>, %arg6: memref<2048x128xf32, #tpu.memory_space<vmem>>, %arg7: memref<2048x128xf32, #tpu.memory_space<vmem>>) attributes {dimension_semantics = [#tpu.dimension_semantics<arbitrary>], iteration_bounds = array<i64: 5>, scalar_prefetch = 0 : i64, scratch_operands = 0 : i64, tpu.core_type = #tpu.core_type<tc>, window_params = [{transform_indices = @transform_0, window_bounds = array<i64: 2048, 128>}, {pipeline_mode = #tpu.pipeline_mode<synchronous>, transform_indices = @transform_1, window_bounds = array<i64: 128, 128>}, {pipeline_mode = #tpu.pipeline_mode<synchronous>, transform_indices = @transform_2, window_bounds = array<i64: 128, 128>}, {pipeline_mode = #tpu.pipeline_mode<synchronous>, transform_indices = @transform_3, window_bounds = array<i64: 1, 128>}, {transform_indices = @transform_4, window_bounds = array<i64: 2, 2048>}, {transform_indices = @transform_5, window_bounds = array<i64: 2048, 128>}, {transform_indices = @transform_6, window_bounds = array<i64: 2048, 128>}]} {
    %get3A = arith.constant 0 : index
    %get3A_0 = arith.constant 0 : index
    %get3A_1 = vector.load %arg5[%get3A, %get3A_0] : memref<2x2048xf32, #tpu.memory_space<vmem>>, vector<1x2048xf32>
    %get3A_2 = vector.shape_cast %get3A_1 : vector<1x2048xf32> to vector<2048xf32>
    %get3A_3 = arith.constant 1 : index
    %get3A_4 = arith.constant 0 : index
    %get3A_5 = vector.load %arg5[%get3A_3, %get3A_4] : memref<2x2048xf32, #tpu.memory_space<vmem>>, vector<1x2048xf32>
    %get3A_6 = vector.shape_cast %get3A_5 : vector<1x2048xf32> to vector<2048xf32>
    %add3A = arith.addf %get3A_2, %get3A_6 : vector<2048xf32>
    %add3A_7 = arith.constant 1.000000e+00 : f32
    %add3A_8 = vector.broadcast %add3A_7 : f32 to vector<2048xf32>
    %add3A_9 = arith.addf %add3A, %add3A_8 : vector<2048xf32>
    %rsqrt3A = math.rsqrt %add3A_9 : vector<2048xf32>
    %get3A_10 = arith.constant 0 : index
    %get3A_11 = arith.constant 0 : index
    %get3A_12 = vector.load %arg1[%get3A_10, %get3A_11] : memref<2048x128xf32, #tpu.memory_space<vmem>>, vector<2048x128xf32>
    %get3A_13 = arith.constant 0 : index
    %get3A_14 = arith.constant 0 : index
    %get3A_15 = vector.load %arg2[%get3A_13, %get3A_14] : memref<128x128xf32, #tpu.memory_space<vmem>>, vector<128x128xf32>
    %dot_general3A = arith.constant dense<0.000000e+00> : vector<2048x128xf32>
    %dot_general3A_16 = tpu.matmul %get3A_12, %get3A_15, %dot_general3A {dimension_numbers = #tpu.dot_dimension_numbers<[1], [1], [0], [0], [0, 0, 1, 0], [], []>, transpose_lhs_hint = false} : vector<2048x128xf32>, vector<128x128xf32>, vector<2048x128xf32> -> vector<2048x128xf32>
    %broadcast_in_dim3A = vector.shape_cast %rsqrt3A : vector<2048xf32> to vector<2048x1xf32>
    %mul3A = vector.broadcast %broadcast_in_dim3A : vector<2048x1xf32> to vector<2048x128xf32>
    %mul3A_17 = arith.mulf %dot_general3A_16, %mul3A : vector<2048x128xf32>
    %swap3A = arith.constant 0 : index
    %swap3A_18 = arith.constant 0 : index
    %swap3A_19 = vector.load %arg6[%swap3A, %swap3A_18] : memref<2048x128xf32, #tpu.memory_space<vmem>>, vector<2048x128xf32>
    tpu.vector_store %arg6[%swap3A, %swap3A_18], %mul3A_17 {strides = array<i32>} : memref<2048x128xf32, #tpu.memory_space<vmem>>, vector<2048x128xf32>,
    %get3A_20 = arith.constant 0 : index
    %get3A_21 = arith.constant 0 : index
    %get3A_22 = vector.load %arg3[%get3A_20, %get3A_21] : memref<128x128xf32, #tpu.memory_space<vmem>>, vector<128x128xf32>
    %dot_general3A_23 = arith.constant dense<0.000000e+00> : vector<2048x128xf32>
    %dot_general3A_24 = tpu.matmul %get3A_12, %get3A_22, %dot_general3A_23 {dimension_numbers = #tpu.dot_dimension_numbers<[1], [1], [0], [0], [0, 0, 1, 0], [], []>, transpose_lhs_hint = false} : vector<2048x128xf32>, vector<128x128xf32>, vector<2048x128xf32> -> vector<2048x128xf32>
    %get3A_25 = arith.constant 0 : index
    %get3A_26 = arith.constant 0 : index
    %get3A_27 = vector.load %arg4[%get3A_25, %get3A_26] : memref<1x128xf32, #tpu.memory_space<vmem>>, vector<1x128xf32>
    %add3A_28 = vector.broadcast %get3A_27 : vector<1x128xf32> to vector<2048x128xf32>
    %add3A_29 = arith.addf %dot_general3A_24, %add3A_28 : vector<2048x128xf32>
    %swap3A_30 = arith.constant 0 : index
    %swap3A_31 = arith.constant 0 : index
    %swap3A_32 = vector.load %arg7[%swap3A_30, %swap3A_31] : memref<2048x128xf32, #tpu.memory_space<vmem>>, vector<2048x128xf32>
    tpu.vector_store %arg7[%swap3A_30, %swap3A_31], %add3A_29 {strides = array<i32>} : memref<2048x128xf32, #tpu.memory_space<vmem>>, vector<2048x128xf32>,
    return
  }
  func.func @transform_0(%arg0: i32) -> (i32, i32) {
    %c0_i32 = arith.constant 0 : i32
    %c0_i32_0 = arith.constant 0 : i32
    return %arg0, %c0_i32 : i32, i32
  }
  func.func @transform_1(%arg0: i32) -> (i32, i32) {
    %c0_i32 = arith.constant 0 : i32
    %c0_i32_0 = arith.constant 0 : i32
    %c0_i32_1 = arith.constant 0 : i32
    return %c0_i32, %c0_i32_0 : i32, i32
  }
  func.func @transform_2(%arg0: i32) -> (i32, i32) {
    %c0_i32 = arith.constant 0 : i32
    %c0_i32_0 = arith.constant 0 : i32
    %c0_i32_1 = arith.constant 0 : i32
    return %c0_i32, %c0_i32_0 : i32, i32
  }
  func.func @transform_3(%arg0: i32) -> (i32, i32) {
    %c0_i32 = arith.constant 0 : i32
    %c0_i32_0 = arith.constant 0 : i32
    %c0_i32_1 = arith.constant 0 : i32
    return %c0_i32, %c0_i32_0 : i32, i32
  }
  func.func @transform_4(%arg0: i32) -> (i32, i32) {
    %c0_i32 = arith.constant 0 : i32
    %c0_i32_0 = arith.constant 0 : i32
    return %c0_i32, %arg0 : i32, i32
  }
  func.func @transform_5(%arg0: i32) -> (i32, i32) {
    %c0_i32 = arith.constant 0 : i32
    %c0_i32_0 = arith.constant 0 : i32
    return %arg0, %c0_i32 : i32, i32
  }
  func.func @transform_6(%arg0: i32) -> (i32, i32) {
    %c0_i32 = arith.constant 0 : i32
    %c0_i32_0 = arith.constant 0 : i32
    return %arg0, %c0_i32 : i32, i32
  }
}

module attributes {stable_mosaic.version = 14 : i64} {
  func.func @_dense2_body(%arg0: i32, %arg1: memref<2x2048x128xf32, #tpu.memory_space<vmem>>, %arg2: memref<2048x128xf32, #tpu.memory_space<vmem>>, %arg3: memref<2048x128xf32, #tpu.memory_space<vmem>>, %arg4: memref<2x2048xf32, #tpu.memory_space<vmem>>, %arg5: memref<1x128xf32, #tpu.memory_space<vmem>>, %arg6: memref<1x128xf32, #tpu.memory_space<vmem>>, %arg7: memref<128x128xf32, #tpu.memory_space<vmem>>, %arg8: memref<2048x128xf32, #tpu.memory_space<vmem>>) attributes {dimension_semantics = [#tpu.dimension_semantics<arbitrary>], iteration_bounds = array<i64: 5>, scalar_prefetch = 0 : i64, scratch_operands = 0 : i64, tpu.core_type = #tpu.core_type<tc>, window_params = [{transform_indices = @transform_0, window_bounds = array<i64: 2, 2048, 128>}, {transform_indices = @transform_1, window_bounds = array<i64: 2048, 128>}, {transform_indices = @transform_2, window_bounds = array<i64: 2048, 128>}, {transform_indices = @transform_3, window_bounds = array<i64: 2, 2048>}, {pipeline_mode = #tpu.pipeline_mode<synchronous>, transform_indices = @transform_4, window_bounds = array<i64: 1, 128>}, {pipeline_mode = #tpu.pipeline_mode<synchronous>, transform_indices = @transform_5, window_bounds = array<i64: 1, 128>}, {pipeline_mode = #tpu.pipeline_mode<synchronous>, transform_indices = @transform_6, window_bounds = array<i64: 128, 128>}, {transform_indices = @transform_7, window_bounds = array<i64: 2048, 128>}]} {
    %get3A = arith.constant 0 : index
    %get3A_0 = arith.constant 0 : index
    %get3A_1 = vector.load %arg4[%get3A, %get3A_0] : memref<2x2048xf32, #tpu.memory_space<vmem>>, vector<1x2048xf32>
    %get3A_2 = vector.shape_cast %get3A_1 : vector<1x2048xf32> to vector<2048xf32>
    %get3A_3 = arith.constant 1 : index
    %get3A_4 = arith.constant 0 : index
    %get3A_5 = vector.load %arg4[%get3A_3, %get3A_4] : memref<2x2048xf32, #tpu.memory_space<vmem>>, vector<1x2048xf32>
    %get3A_6 = vector.shape_cast %get3A_5 : vector<1x2048xf32> to vector<2048xf32>
    %add3A = arith.addf %get3A_2, %get3A_6 : vector<2048xf32>
    %add3A_7 = arith.constant 1.000000e+00 : f32
    %add3A_8 = vector.broadcast %add3A_7 : f32 to vector<2048xf32>
    %add3A_9 = arith.addf %add3A, %add3A_8 : vector<2048xf32>
    %rsqrt3A = math.rsqrt %add3A_9 : vector<2048xf32>
    %get3A_10 = arith.constant 0 : index
    %get3A_11 = arith.constant 0 : index
    %get3A_12 = arith.constant 0 : index
    %get3A_13 = vector.load %arg1[%get3A_10, %get3A_11, %get3A_12] : memref<2x2048x128xf32, #tpu.memory_space<vmem>>, vector<1x2048x128xf32>
    %get3A_14 = vector.shape_cast %get3A_13 : vector<1x2048x128xf32> to vector<2048x128xf32>
    %get3A_15 = arith.constant 1 : index
    %get3A_16 = arith.constant 0 : index
    %get3A_17 = arith.constant 0 : index
    %get3A_18 = vector.load %arg1[%get3A_15, %get3A_16, %get3A_17] : memref<2x2048x128xf32, #tpu.memory_space<vmem>>, vector<1x2048x128xf32>
    %get3A_19 = vector.shape_cast %get3A_18 : vector<1x2048x128xf32> to vector<2048x128xf32>
    %add3A_20 = arith.addf %get3A_14, %get3A_19 : vector<2048x128xf32>
    %get3A_21 = arith.constant 0 : index
    %get3A_22 = arith.constant 0 : index
    %get3A_23 = vector.load %arg2[%get3A_21, %get3A_22] : memref<2048x128xf32, #tpu.memory_space<vmem>>, vector<2048x128xf32>
    %add3A_24 = arith.addf %add3A_20, %get3A_23 : vector<2048x128xf32>
    %broadcast_in_dim3A = vector.shape_cast %rsqrt3A : vector<2048xf32> to vector<2048x1xf32>
    %mul3A = vector.broadcast %broadcast_in_dim3A : vector<2048x1xf32> to vector<2048x128xf32>
    %mul3A_25 = arith.mulf %add3A_24, %mul3A : vector<2048x128xf32>
    %get3A_26 = arith.constant 0 : index
    %get3A_27 = arith.constant 0 : index
    %get3A_28 = vector.load %arg5[%get3A_26, %get3A_27] : memref<1x128xf32, #tpu.memory_space<vmem>>, vector<1x128xf32>
    %add3A_29 = vector.broadcast %get3A_28 : vector<1x128xf32> to vector<2048x128xf32>
    %add3A_30 = arith.addf %mul3A_25, %add3A_29 : vector<2048x128xf32>
    %ge3A = arith.constant 0.000000e+00 : f32
    %ge3A_31 = vector.broadcast %ge3A : f32 to vector<2048x128xf32>
    %ge3A_32 = arith.cmpf oge, %add3A_30, %ge3A_31 : vector<2048x128xf32>
    %get3A_33 = arith.constant 0 : index
    %get3A_34 = arith.constant 0 : index
    %get3A_35 = vector.load %arg6[%get3A_33, %get3A_34] : memref<1x128xf32, #tpu.memory_space<vmem>>, vector<1x128xf32>
    %mul3A_36 = vector.broadcast %get3A_35 : vector<1x128xf32> to vector<2048x128xf32>
    %mul3A_37 = arith.mulf %mul3A_36, %add3A_30 : vector<2048x128xf32>
    %select_n3A = arith.select %ge3A_32, %add3A_30, %mul3A_37 : vector<2048x128xi1>, vector<2048x128xf32>
    %get3A_38 = arith.constant 0 : index
    %get3A_39 = arith.constant 0 : index
    %get3A_40 = vector.load %arg3[%get3A_38, %get3A_39] : memref<2048x128xf32, #tpu.memory_space<vmem>>, vector<2048x128xf32>
    %add3A_41 = arith.addf %get3A_40, %select_n3A : vector<2048x128xf32>
    %get3A_42 = arith.constant 0 : index
    %get3A_43 = arith.constant 0 : index
    %get3A_44 = vector.load %arg7[%get3A_42, %get3A_43] : memref<128x128xf32, #tpu.memory_space<vmem>>, vector<128x128xf32>
    %dot_general3A = arith.constant dense<0.000000e+00> : vector<2048x128xf32>
    %dot_general3A_45 = tpu.matmul %add3A_41, %get3A_44, %dot_general3A {dimension_numbers = #tpu.dot_dimension_numbers<[1], [1], [0], [0], [0, 0, 1, 0], [], []>, transpose_lhs_hint = false} : vector<2048x128xf32>, vector<128x128xf32>, vector<2048x128xf32> -> vector<2048x128xf32>
    %broadcast_in_dim3A_46 = vector.shape_cast %rsqrt3A : vector<2048xf32> to vector<2048x1xf32>
    %mul3A_47 = vector.broadcast %broadcast_in_dim3A_46 : vector<2048x1xf32> to vector<2048x128xf32>
    %mul3A_48 = arith.mulf %dot_general3A_45, %mul3A_47 : vector<2048x128xf32>
    %swap3A = arith.constant 0 : index
    %swap3A_49 = arith.constant 0 : index
    %swap3A_50 = vector.load %arg8[%swap3A, %swap3A_49] : memref<2048x128xf32, #tpu.memory_space<vmem>>, vector<2048x128xf32>
    tpu.vector_store %arg8[%swap3A, %swap3A_49], %mul3A_48 {strides = array<i32>} : memref<2048x128xf32, #tpu.memory_space<vmem>>, vector<2048x128xf32>,
    return
  }
  func.func @transform_0(%arg0: i32) -> (i32, i32, i32) {
    %c0_i32 = arith.constant 0 : i32
    %c0_i32_0 = arith.constant 0 : i32
    %c0_i32_1 = arith.constant 0 : i32
    return %c0_i32, %arg0, %c0_i32_0 : i32, i32, i32
  }
  func.func @transform_1(%arg0: i32) -> (i32, i32) {
    %c0_i32 = arith.constant 0 : i32
    %c0_i32_0 = arith.constant 0 : i32
    return %arg0, %c0_i32 : i32, i32
  }
  func.func @transform_2(%arg0: i32) -> (i32, i32) {
    %c0_i32 = arith.constant 0 : i32
    %c0_i32_0 = arith.constant 0 : i32
    return %arg0, %c0_i32 : i32, i32
  }
  func.func @transform_3(%arg0: i32) -> (i32, i32) {
    %c0_i32 = arith.constant 0 : i32
    %c0_i32_0 = arith.constant 0 : i32
    return %c0_i32, %arg0 : i32, i32
  }
  func.func @transform_4(%arg0: i32) -> (i32, i32) {
    %c0_i32 = arith.constant 0 : i32
    %c0_i32_0 = arith.constant 0 : i32
    %c0_i32_1 = arith.constant 0 : i32
    return %c0_i32, %c0_i32_0 : i32, i32
  }
  func.func @transform_5(%arg0: i32) -> (i32, i32) {
    %c0_i32 = arith.constant 0 : i32
    %c0_i32_0 = arith.constant 0 : i32
    %c0_i32_1 = arith.constant 0 : i32
    return %c0_i32, %c0_i32_0 : i32, i32
  }
  func.func @transform_6(%arg0: i32) -> (i32, i32) {
    %c0_i32 = arith.constant 0 : i32
    %c0_i32_0 = arith.constant 0 : i32
    %c0_i32_1 = arith.constant 0 : i32
    return %c0_i32, %c0_i32_0 : i32, i32
  }
  func.func @transform_7(%arg0: i32) -> (i32, i32) {
    %c0_i32 = arith.constant 0 : i32
    %c0_i32_0 = arith.constant 0 : i32
    return %arg0, %c0_i32 : i32, i32
  }
}

module attributes {stable_mosaic.version = 14 : i64} {
  func.func @_dense3_body(%arg0: i32, %arg1: memref<2x2048x128xf32, #tpu.memory_space<vmem>>, %arg2: memref<2048x128xf32, #tpu.memory_space<vmem>>, %arg3: memref<2x2048xf32, #tpu.memory_space<vmem>>, %arg4: memref<1x128xf32, #tpu.memory_space<vmem>>, %arg5: memref<1x128xf32, #tpu.memory_space<vmem>>, %arg6: memref<2048x128xf32, #tpu.memory_space<vmem>>) attributes {dimension_semantics = [#tpu.dimension_semantics<arbitrary>], iteration_bounds = array<i64: 5>, scalar_prefetch = 0 : i64, scratch_operands = 0 : i64, tpu.core_type = #tpu.core_type<tc>, window_params = [{transform_indices = @transform_0, window_bounds = array<i64: 2, 2048, 128>}, {transform_indices = @transform_1, window_bounds = array<i64: 2048, 128>}, {transform_indices = @transform_2, window_bounds = array<i64: 2, 2048>}, {pipeline_mode = #tpu.pipeline_mode<synchronous>, transform_indices = @transform_3, window_bounds = array<i64: 1, 128>}, {pipeline_mode = #tpu.pipeline_mode<synchronous>, transform_indices = @transform_4, window_bounds = array<i64: 1, 128>}, {transform_indices = @transform_5, window_bounds = array<i64: 2048, 128>}]} {
    %get3A = arith.constant 0 : index
    %get3A_0 = arith.constant 0 : index
    %get3A_1 = vector.load %arg3[%get3A, %get3A_0] : memref<2x2048xf32, #tpu.memory_space<vmem>>, vector<1x2048xf32>
    %get3A_2 = vector.shape_cast %get3A_1 : vector<1x2048xf32> to vector<2048xf32>
    %get3A_3 = arith.constant 1 : index
    %get3A_4 = arith.constant 0 : index
    %get3A_5 = vector.load %arg3[%get3A_3, %get3A_4] : memref<2x2048xf32, #tpu.memory_space<vmem>>, vector<1x2048xf32>
    %get3A_6 = vector.shape_cast %get3A_5 : vector<1x2048xf32> to vector<2048xf32>
    %add3A = arith.addf %get3A_2, %get3A_6 : vector<2048xf32>
    %add3A_7 = arith.constant 1.000000e+00 : f32
    %add3A_8 = vector.broadcast %add3A_7 : f32 to vector<2048xf32>
    %add3A_9 = arith.addf %add3A, %add3A_8 : vector<2048xf32>
    %rsqrt3A = math.rsqrt %add3A_9 : vector<2048xf32>
    %get3A_10 = arith.constant 0 : index
    %get3A_11 = arith.constant 0 : index
    %get3A_12 = arith.constant 0 : index
    %get3A_13 = vector.load %arg1[%get3A_10, %get3A_11, %get3A_12] : memref<2x2048x128xf32, #tpu.memory_space<vmem>>, vector<1x2048x128xf32>
    %get3A_14 = vector.shape_cast %get3A_13 : vector<1x2048x128xf32> to vector<2048x128xf32>
    %get3A_15 = arith.constant 1 : index
    %get3A_16 = arith.constant 0 : index
    %get3A_17 = arith.constant 0 : index
    %get3A_18 = vector.load %arg1[%get3A_15, %get3A_16, %get3A_17] : memref<2x2048x128xf32, #tpu.memory_space<vmem>>, vector<1x2048x128xf32>
    %get3A_19 = vector.shape_cast %get3A_18 : vector<1x2048x128xf32> to vector<2048x128xf32>
    %add3A_20 = arith.addf %get3A_14, %get3A_19 : vector<2048x128xf32>
    %get3A_21 = arith.constant 0 : index
    %get3A_22 = arith.constant 0 : index
    %get3A_23 = vector.load %arg2[%get3A_21, %get3A_22] : memref<2048x128xf32, #tpu.memory_space<vmem>>, vector<2048x128xf32>
    %add3A_24 = arith.addf %add3A_20, %get3A_23 : vector<2048x128xf32>
    %broadcast_in_dim3A = vector.shape_cast %rsqrt3A : vector<2048xf32> to vector<2048x1xf32>
    %mul3A = vector.broadcast %broadcast_in_dim3A : vector<2048x1xf32> to vector<2048x128xf32>
    %mul3A_25 = arith.mulf %add3A_24, %mul3A : vector<2048x128xf32>
    %get3A_26 = arith.constant 0 : index
    %get3A_27 = arith.constant 0 : index
    %get3A_28 = vector.load %arg4[%get3A_26, %get3A_27] : memref<1x128xf32, #tpu.memory_space<vmem>>, vector<1x128xf32>
    %add3A_29 = vector.broadcast %get3A_28 : vector<1x128xf32> to vector<2048x128xf32>
    %add3A_30 = arith.addf %mul3A_25, %add3A_29 : vector<2048x128xf32>
    %ge3A = arith.constant 0.000000e+00 : f32
    %ge3A_31 = vector.broadcast %ge3A : f32 to vector<2048x128xf32>
    %ge3A_32 = arith.cmpf oge, %add3A_30, %ge3A_31 : vector<2048x128xf32>
    %get3A_33 = arith.constant 0 : index
    %get3A_34 = arith.constant 0 : index
    %get3A_35 = vector.load %arg5[%get3A_33, %get3A_34] : memref<1x128xf32, #tpu.memory_space<vmem>>, vector<1x128xf32>
    %mul3A_36 = vector.broadcast %get3A_35 : vector<1x128xf32> to vector<2048x128xf32>
    %mul3A_37 = arith.mulf %mul3A_36, %add3A_30 : vector<2048x128xf32>
    %select_n3A = arith.select %ge3A_32, %add3A_30, %mul3A_37 : vector<2048x128xi1>, vector<2048x128xf32>
    %swap3A = arith.constant 0 : index
    %swap3A_38 = arith.constant 0 : index
    %swap3A_39 = vector.load %arg6[%swap3A, %swap3A_38] : memref<2048x128xf32, #tpu.memory_space<vmem>>, vector<2048x128xf32>
    tpu.vector_store %arg6[%swap3A, %swap3A_38], %select_n3A {strides = array<i32>} : memref<2048x128xf32, #tpu.memory_space<vmem>>, vector<2048x128xf32>,
    return
  }
  func.func @transform_0(%arg0: i32) -> (i32, i32, i32) {
    %c0_i32 = arith.constant 0 : i32
    %c0_i32_0 = arith.constant 0 : i32
    %c0_i32_1 = arith.constant 0 : i32
    return %c0_i32, %arg0, %c0_i32_0 : i32, i32, i32
  }
  func.func @transform_1(%arg0: i32) -> (i32, i32) {
    %c0_i32 = arith.constant 0 : i32
    %c0_i32_0 = arith.constant 0 : i32
    return %arg0, %c0_i32 : i32, i32
  }
  func.func @transform_2(%arg0: i32) -> (i32, i32) {
    %c0_i32 = arith.constant 0 : i32
    %c0_i32_0 = arith.constant 0 : i32
    return %c0_i32, %arg0 : i32, i32
  }
  func.func @transform_3(%arg0: i32) -> (i32, i32) {
    %c0_i32 = arith.constant 0 : i32
    %c0_i32_0 = arith.constant 0 : i32
    %c0_i32_1 = arith.constant 0 : i32
    return %c0_i32, %c0_i32_0 : i32, i32
  }
  func.func @transform_4(%arg0: i32) -> (i32, i32) {
    %c0_i32 = arith.constant 0 : i32
    %c0_i32_0 = arith.constant 0 : i32
    %c0_i32_1 = arith.constant 0 : i32
    return %c0_i32, %c0_i32_0 : i32, i32
  }
  func.func @transform_5(%arg0: i32) -> (i32, i32) {
    %c0_i32 = arith.constant 0 : i32
    %c0_i32_0 = arith.constant 0 : i32
    return %arg0, %c0_i32 : i32, i32
  }
}

</mosaic_0001>

<sc_bundles>
// kernel: kernel.11.cloned.1.call-start
scs
__scs_entry_jumppad:
0x0: {  	(pc) =	sbr.rel $0x88, $3  }
0x1: {  	(tag) =	ssettag $0x0;
	lr =	simm.s32 $0x1  }
0x2: {  	[smem:$0x3F98] =	sst lr;
	_ =	strace $0xD0000000  }
0x3: {  	_ = 	snop  }
0x4: {  	_ = 	snop  }
0x5: {  	_ = 	snop  }
0x6: {  	_ = 	snop  }
0x7: {  	_ = 	snop  }
__scs_overlays_trampoline_lowered:
0x8: {  	[smem:$0x3FA7] =	sst s0  }
0x9: {  	[smem:$0x3FA8] =	sst s1  }
0xa: {  	[smem:$0x3FA9] =	sst s2  }
0xb: {  	[smem:$0x3FAA] =	sst s3  }
0xc: {  	[smem:$0x3FAB] =	sst s4  }
0xd: {  	[smem:$0x3FAC] =	sst s5  }
0xe: {  	[smem:$0x3FAD] =	sst s6  }
0xf: {  	[smem:$0x3FAE] =	sst s7  }
0x10: {  	[smem:$0x3FAF] =	sst s8  }
0x11: {  	[smem:$0x3FB0] =	sst s9;
	s0 =	simm.s32 @!p0 $0x0  }
0x12: {  	s1 =	sld [smem:$0x3F96];
	s0 =	simm.s32 @p0 $0x1  }
0x13: {  	[smem:$0x3FB1] =	sst s0;
	s0 =	simm.s32 @!p1 $0x0  }
0x14: {  	s2 =	sld [smem:$0x3F95];
	s0 =	simm.s32 @p1 $0x1  }
0x15: {  	[smem:$0x3FB2] =	sst s0;
	s0 =	simm.s32 @!p2 $0x0  }
0x16: {  	s3 =	sld [smem:$0x3FDB];
	s0 =	simm.s32 @p2 $0x1  }
0x17: {  	s4 =	simm.s32 $0x1BF5;
	[smem:$0x3FB4] =	sst s0  }
0x18: {  	s0 =	sld [smem:$0x3F97];
	_ =	swait.ge [sflag:s4], $0x0  }
0x19: {  	s7 =	sld [smem:$0x3F98]  }
0x1a: {  	s8 =	sadd.s32 $0xFFFFE003, lr  }
0x1b: {  	s9 =	sadd.s32 $0xFFFFFEF7, lr;
	s5 =	simm.s32 $0xFFFFFFFF;
	p2 =	slt.u32 s8, $0xFFFFF086  }
0x1c: {  	p1 =	slt.u32 s9, $0xF7A;
	s5 =	simm.s32 @!p2 $0x0  }
0x1d: {  	s5 =	simm.s32 @p1 $0x1;
	p0 =	seq.s32 s7, s2  }
0x1e: {  	s7 =	smul.u32 @!p0 $0xF7A, s2;
	p2 =	seq.s32 @!p0 s5, $0x0  }
0x1f: {  	s9 =	smul.u32 $0xF7A, s1;
	s8 =	simm.s32 @!p0 $0x1BF5;
	p2 =	por !p2, p0  }
0x20: {  	[sflag:s8] =	ssyncset.s32 @!p0 $0xFFFFF086;
	s6 =	sadd.s32 @!p0 s3, s7;
	s7 =	simm.s32 @!p0 $0x108  }
0x21: {  	s3 =	sadd.s32 s3, s9;
	s6 =	sadd.s32 @!p0 $0x88, s6;
	s7 =	simm.s32 @p2 $0x1082  }
0x22: {  	[simem:s7], [sflag:s8] =	dma.local @!p0 [hbm:s6], $0xF7A  }
0x23: {  	s9 =	sor.u32 $0xD0000000, s2;
	s6 =	simm.s32 $0x108;
	_ =	swait.ge @!p0 [sflag:s8], $0x0  }
0x24: {  	s3 =	sadd.s32 $0x88, s3;
	s6 =	simm.s32 @!p1 $0x1082;
	[sflag:s4] =	ssyncset.s32 $0xFFFFF086  }
0x25: {  	[simem:s6], [sflag:s4] =	dma.local [hbm:s3], $0xF7A  }
0x26: {  	[smem:$0x3F98] =	sst s1;
	(tag) =	ssettag s2;
	_ =	strace s9  }
0x27: {  	s1 =	sld [smem:$0x3FA8]  }
0x28: {  	s2 =	sld [smem:$0x3FA9]  }
0x29: {  	s4 =	sld [smem:$0x3FAB]  }
0x2a: {  	p0 =	seq.s32 s5, $0x0;
	s5 =	sld [smem:$0x3FAC]  }
0x2b: {  	s6 =	sld [smem:$0x3FAD]  }
0x2c: {  	s7 =	sld [smem:$0x3FAE]  }
0x2d: {  	s3 =	simm.s32 $0x108;
	s8 =	sld [smem:$0x3FAF]  }
0x2e: {  	s3 =	simm.s32 @!p0 $0x1082;
	s9 =	sld [smem:$0x3FB0]  }
0x2f: {  	lr =	sadd.s32 s0, s3;
	s0 =	sld [smem:$0x3FA7]  }
0x30: {  	s3 =	sld [smem:$0x3FAA]  }
0x31: {  	[smem:$0x3FB3] =	sst s10  }
0x32: {  	s10 =	sld [smem:$0x3FB1];
	_ =	sdelay $0x3  }
0x33: {  	p0 =	seq.s32 s10, $0x1;
	s10 =	sld [smem:$0x3FB3];
	_ =	sdelay $0x3  }
0x34: {  	[smem:$0x3FB3] =	sst s10  }
0x35: {  	s10 =	sld [smem:$0x3FB2];
	_ =	sdelay $0x3  }
0x36: {  	p1 =	seq.s32 s10, $0x1;
	s10 =	sld [smem:$0x3FB3];
	_ =	sdelay $0x3  }
0x37: {  	[smem:$0x3FB3] =	sst s10  }
0x38: {  	s10 =	sld [smem:$0x3FB4]  }
0x39: {  	_ = 	snop;
	(pc) =	sbr.ind lr, $3  }
0x3a: {  	_ = 	snop  }
0x3b: {  	_ = 	snop  }
0x3c: {  	p2 =	seq.s32 s10, $0x1;
	s10 =	sld [smem:$0x3FB3]  }
0x3d: {  	_ =	shalt  }
0x3e: {  	_ =	shalt  }
0x3f: {  	_ =	shalt  }
0x40: {  	_ =	shalt  }
0x41: {  	_ =	shalt  }
0x42: {  	_ =	shalt  }
0x43: {  	_ =	shalt  }
0x44: {  	_ =	shalt  }
0x45: {  	_ =	shalt  }
0x46: {  	_ =	shalt  }
0x47: {  	_ =	shalt  }
0x48: {  	_ =	shalt  }
0x49: {  	_ =	shalt  }
0x4a: {  	_ =	shalt  }
0x4b: {  	_ =	shalt  }
0x4c: {  	_ =	shalt  }
0x4d: {  	_ =	shalt  }
0x4e: {  	_ =	shalt  }
0x4f: {  	_ =	shalt  }
0x50: {  	_ =	shalt  }
0x51: {  	_ =	shalt  }
0x52: {  	_ =	shalt  }
0x53: {  	_ =	shalt  }
0x54: {  	_ =	shalt  }
0x55: {  	_ =	shalt  }
0x56: {  	_ =	shalt  }
0x57: {  	_ =	shalt  }
0x58: {  	_ =	shalt  }
0x59: {  	_ =	shalt  }
0x5a: {  	_ =	shalt  }
0x5b: {  	_ =	shalt  }
0x5c: {  	_ =	shalt  }
0x5d: {  	_ =	shalt  }
0x5e: {  	_ =	shalt  }
0x5f: {  	_ =	shalt  }
0x60: {  	_ =	shalt  }
0x61: {  	_ =	shalt  }
0x62: {  	_ =	shalt  }
0x63: {  	_ =	shalt  }
0x64: {  	_ =	shalt  }
0x65: {  	_ =	shalt  }
0x66: {  	_ =	shalt  }
0x67: {  	_ =	shalt  }
0x68: {  	_ =	shalt  }
0x69: {  	_ =	shalt  }
0x6a: {  	_ =	shalt  }
0x6b: {  	_ =	shalt  }
0x6c: {  	_ =	shalt  }
0x6d: {  	_ =	shalt  }
0x6e: {  	_ =	shalt  }
0x6f: {  	_ =	shalt  }
0x70: {  	_ =	shalt  }
0x71: {  	_ =	shalt  }
0x72: {  	_ =	shalt  }
0x73: {  	_ =	shalt  }
0x74: {  	_ =	shalt  }
0x75: {  	_ =	shalt  }
0x76: {  	_ =	shalt  }
0x77: {  	_ =	shalt  }
0x78: {  	_ =	shalt  }
0x79: {  	_ =	shalt  }
0x7a: {  	_ =	shalt  }
0x7b: {  	_ =	shalt  }
0x7c: {  	_ =	shalt  }
0x7d: {  	_ =	shalt  }
0x7e: {  	_ =	shalt  }
0x7f: {  	_ =	shalt  }
0x80: {  	_ =	shalt  }
0x81: {  	_ =	shalt  }
0x82: {  	_ =	shalt  }
0x83: {  	_ =	shalt  }
0x84: {  	_ =	shalt  }
0x85: {  	_ =	shalt  }
0x86: {  	_ =	shalt  }
0x87: {  	_ =	shalt  }
.Lfunc_end0:
.L_simem_size_0:
called_computation.1_lowered:
.L_overlay_start_0:
0x88: {  	s2 =	sld [smem:$0x3FD9]  }
0x89: {  	s3 =	sld [smem:$0x3FFE];
	_ =	sdelay $0x1  }
0x8a: {  	s1 =	srdreg.scid  }
0x8b: {  	s0 =	sand.u32 $0x1, s1  }
0x8c: {  	s17 =	sshll.u32 s0, $0xA;
	s2 =	sadd.s32 s3, s2  }
0x8d: {  	s2 =	sadd.s32 s2, s17  }
0x8e: {  	[smem:$0x3FBF] =	sst s2  }
0x8f: {  	_ = 	snop  }
0x90: {  	s2 =	sld [smem:$0x3FD0];
	(tm) =	ssettm $0x1  }
0x91: {  	s18 =	sld [smem:$0x3FFB];
	_ =	sdelay $0x3  }
0x92: {  	_ =	strace s18  }
0x93: {  	s3 =	sld [smem:$0x3FFC];
	_ =	sdelay $0x3  }
0x94: {  	_ =	strace s3  }
0x95: {  	s3 =	sld [smem:$0x3FFD];
	_ =	sdelay $0x3  }
0x96: {  	_ =	strace s3  }
0x97: {  	_ =	strace $0x8FFFFFFF  }
0x98: {  	s19 =	sld [smem:$0x3FDB];
	_ =	sdelay $0x1  }
0x99: {  	s4 =	simm.s32 $_scs_section_size  }
0x9a: {  	s5 =	simm.s32 $_size__tile_overlayer_lowered;
	s6 =	simm.s32 $_tile_overlayer_lowered  }
0x9b: {  	s22 =	simm.s32 $0x1BFF;
	s21 =	sshll.u32 s6, $0x1;
	s3 =	sadd.s32 s4, s19  }
0x9c: {  	s7 =	simm.s32 $0x0;
	s20 =	sshll.u32 s5, $0x1;
	s5 =	sadd.s32 s21, s3  }
0x9d: {  	[timem:s7], [sflag:s22] =	dma.local [hbm:s5], s20  }
0x9e: {  	_ =	swait.ge [sflag:s22], s20  }
0x9f: {  	s4 =	ssub.s32 $0x0, s20;
	[sflag:s22] =	ssyncset.done $0x0  }
0xa0: {  	[sflag:s22] =	ssyncadd.s32 s4;
	_ =	sdelay $0x1  }
0xa1: {  	s23 =	simm.s32 $0x1B8B  }
0xa2: {  	_ =	swait.ge [sflag:s23], $0x1  }
0xa3: {  	[sflag:s23] =	ssyncset.done $0x0  }
0xa4: {  	s25 =	simm.s32 $0x1B8E;
	s24 =	sld [smem:$0x3FFE];
	[sflag:s23] =	ssyncadd.s32 $0xFFFFFFFF  }
0xa5: {  	s26 =	simm.s32 $execute0_lowered;
	[smem:$0x3FD2] =	sst s25  }
0xa6: {  	s5 =	sshll.u32 s26, $0x1;
	_ =	strace $0x80000049;
	[dreg:$0x1] =	wrdreg $0xFFFFFFFF  }
0xa7: {  	s28 =	simm.s32 $_size_execute0_lowered;
	s3 =	sadd.s32 s3, s5;
	[dreg:$0x0] =	wrdreg $0x0  }
0xa8: {  	s5 =	sshll.u32 s28, $0x1;
	[dreg:$0x2] =	wrdreg s3  }
0xa9: {  	[dreg:$0x3] =	wrdreg s5  }
0xaa: {  	[dreg:$0x4] =	wrdreg $0xC0  }
0xab: {  	_ =	task [dreg:s7], $0x5FFFF  }
0xac: {  	[dreg:$0x1] =	wrdreg $0xFFFFFFFF  }
0xad: {  	[dreg:$0x0] =	wrdreg $0x60  }
0xae: {  	[dreg:$0x2] =	wrdreg s2  }
0xaf: {  	[dreg:$0x3] =	wrdreg s24  }
0xb0: {  	[dreg:$0x4] =	wrdreg $0x8F000  }
0xb1: {  	[dreg:$0x5] =	wrdreg $0x9  }
0xb2: {  	_ =	task.clear_ibuf [dreg:s7], $0x6FFFF;
	_ =	strace $0x90000049  }
0xb3: {  	s29 =	simm.s32 $0x9;
	_ =	strace $0x8000004B  }
0xb4: {  	_ =	swait.ge [sflag:s29], $0x1  }
0xb5: {  	[sflag:s29] =	ssyncadd.s32 $0xFFFFFFFF  }
0xb6: {  	_ =	strace $0x9000004B  }
0xb7: {  	_ =	sfence  }
0xb8: {  	s30 =	sld [smem:$0x0];
	_ =	sdelay $0x2  }
0xb9: {  	s31 =	sshll.u32 s1, $0xD;
	s1 =	sshrl.u32 s1, $0x2  }
0xba: {  	s3 =	sand.u32 $0x4000, s31;
	s1 =	sadd.s32 s1, s30  }
0xbb: {  	s0 =	sor.u32 s3, s0;
	s1 =	sshll.u32 s1, $0x11  }
0xbc: {  	s0 =	sor.u32 s1, s0  }
0xbd: {  	s0 =	sadd.s32 $0x8F2B, s0  }
0xbe: {  	[sflag:s0] =	ssyncadd.remote.s32 $0x1  }
0xbf: {  	_ =	sfence.sel $0xFFFF  }
0xc0: {  	[dreg:$0x0] =	wrdreg $0xFFFFFFFF;
	(pc) =	sbr.abs _section_cstart, $3  }
0xc1: {  	[dreg:$0x1] =	wrdreg $0xFFFFFFFF  }
0xc2: {  	_ =	task.clear_ibuf [dreg:s7], $0x2FFFF;
	_ =	strace $0x9FFFFFFF  }
0xc3: {  	(tm) =	ssettm $0x7FFFFFFF  }
tec
execute0_lowered:
.L_overlay_start_1:
0x0: {  	(tag) =	ssettag $0x1  }
0x1: {  	s1 =	rddreg [dreg:$0x0]  }
0x2: {  	s6 =	rddreg [dreg:$0x1]  }
0x3: {  	s0 =	srdreg.scid;
	s3 =	rddreg [dreg:$0x2]  }
0x4: {  	s4 =	simm.s32 $0x0;
	s14 =	simm.s32 $0x3;
	s5 =	sand.u32 $0x1, s0  }
0x5: {  	s15 =	simm.s32 $0x80;
	s0 =	stileid.u32;
	s8 =	smul.u32 $0x140000, s5  }
0x6: {  	s16 =	simm.s32 $0x1;
	s17 =	simm.s32 $0x2;
	s9 =	smul.u32 $0x14000, s0  }
0x7: {  	[smem:$0x7FF] =	sst s4;
	s2 =	sshll.u32 s5, $0x4;
	s10 =	smul.u32 $0x50000, s0  }
0x8: {  	s5 =	ssub.s32 $0x2, s5;
	s18 =	sshll.u32 s0, $0x6;
	s2 =	sor.u32 s0, s2  }
0x9: {  	s30 =	sshrl.u32 s5, $0x1;
	s18 =	sor.u32 $0x1C03, s18;
	s7 =	smul.u32 $0x9E0, s2  }
0xa: {  	s2 =	rddreg [dreg:$0x3];
	_ =	strace $0x8000004A;
	s31 =	sshrl.u32 s10, $0x2  }
0xb: {  	s29 =	sadd.s32 s9, s8;
	s13 =	ssub.s32 s5, s30;
	s5 =	sadd.s32 s31, s3  }
0xc: {  	s11 =	sadd.s32 s7, s6;
	s7 =	sshrl.u32 s29, $0x3;
	s8 =	sadd.s32 $0xC000, s5  }
0xd: {  	s9 =	sadd.s32 $0x10000, s5;
	s19 =	sshrl.u32 s5, $0x3;
	s12 =	sadd.s32 s7, s6  }
0xe: {  	s6 =	sadd.s32 $0x4000, s5;
	s7 =	sadd.s32 $0x8000, s5;
	s10 =	sadd.s32 $0x2E00, s11  }
0xf: {  	v0 =	vimm.f32 $0.0e+00;
	s11 =	sadd.s32 $0x16A00, s12;
	s12 =	smax.u32 s13, $0x1;
	s13 =	simm.s32 $0x4F00  }
.LBB2_1:
0x10: {  	s20 =	simm.s32 $0x0;
	s21 =	simm.s32 $0x200  }
.LBB2_2:
0x11: {  	p0 =	sne.s32 s21, $0xFE00;
	[tilespmem:s20+$0x4F70] =	vst v0  }
0x12: {  	[tilespmem:s20+$0x4F00] =	vst v0  }
0x13: {  	[tilespmem:s20+$0x4F10] =	vst v0  }
.Ltmp0:
0x14: {  	[tilespmem:s20+$0x4F20] =	vst v0;
	(pc) =	sbr.rel @p0 .LBB2_2-.Ltmp0, $4  }
0x15: {  	[tilespmem:s20+$0x4F30] =	vst v0  }
0x16: {  	[tilespmem:s20+$0x4F40] =	vst v0  }
0x17: {  	[tilespmem:s20+$0x4F50] =	vst v0  }
0x18: {  	[tilespmem:s20+$0x4F60] =	vst v0;
	s20 =	sshra.s32 s21, $0x2;
	s21 =	sadd.s32 $0x200, s21  }
0x19: {  	[tilespmem:s20+$0x4F70] =	vst v0  }
0x1a: {  	[tilespmem:s20+$0x4F00] =	vst v0  }
0x1b: {  	[tilespmem:s20+$0x4F10] =	vst v0  }
0x1c: {  	[tilespmem:s20+$0x4F20] =	vst v0  }
0x1d: {  	[tilespmem:s20+$0x4F30] =	vst v0  }
0x1e: {  	[tilespmem:s20+$0x4F40] =	vst v0  }
0x1f: {  	[tilespmem:s20+$0x4F50] =	vst v0  }
0x20: {  	[tilespmem:s20+$0x4F60] =	vst v0  }
0x21: {  	[spmem:s5] =	stream.linear.scatter [tilespmem:s13], [sflag:$0x3], $0x4000, $0x38;
	[tilespmem:$0x1CF00] =	vst v63  }
0x22: {  	_ =	swait.ge [sflag:s14], $0x4000  }
0x23: {  	[sflag:s14] =	ssyncset.done $0x0  }
0x24: {  	[sflag:s14] =	ssyncadd.s32 $0xFFFFC000  }
0x25: {  	[spmem:s6] =	stream.linear.scatter [tilespmem:s13], [sflag:$0x3], $0x4000, $0x38;
	[tilespmem:$0x1CF00] =	vst v63  }
0x26: {  	_ =	swait.ge [sflag:s14], $0x4000  }
0x27: {  	[sflag:s14] =	ssyncset.done $0x0  }
0x28: {  	[sflag:s14] =	ssyncadd.s32 $0xFFFFC000  }
0x29: {  	[spmem:s7] =	stream.linear.scatter [tilespmem:s13], [sflag:$0x3], $0x4000, $0x38;
	[tilespmem:$0x1CF00] =	vst v63  }
0x2a: {  	_ =	swait.ge [sflag:s14], $0x4000  }
0x2b: {  	[sflag:s14] =	ssyncset.done $0x0  }
0x2c: {  	[sflag:s14] =	ssyncadd.s32 $0xFFFFC000  }
0x2d: {  	[spmem:s8] =	stream.linear.scatter [tilespmem:s13], [sflag:$0x3], $0x4000, $0x38;
	[tilespmem:$0x1CF00] =	vst v63  }
0x2e: {  	_ =	swait.ge [sflag:s14], $0x4000  }
0x2f: {  	[sflag:s14] =	ssyncset.done $0x0  }
0x30: {  	[sflag:s14] =	ssyncadd.s32 $0xFFFFC000  }
0x31: {  	[spmem:s9] =	stream.linear.scatter [tilespmem:s13], [sflag:$0x3], $0x4000, $0x38;
	[tilespmem:$0x1CF00] =	vst v63  }
0x32: {  	_ =	swait.ge [sflag:s14], $0x4000  }
0x33: {  	[sflag:s14] =	ssyncset.done $0x0  }
0x34: {  	s29 =	simm.s32 $0x0;
	[sflag:s14] =	ssyncadd.s32 $0xFFFFC000  }
0x35: {  	[tilespmem:s29], [sflag:$0x3] =	stream.linear.gather [hbm4b:s10+s29], $0x4F00, $0x38;
	[tilespmem:$0x1CF00] =	vst v63  }
0x36: {  	_ =	swait.ge [sflag:s14], $0x4F00  }
0x37: {  	[sflag:s14] =	ssyncset.done $0x0  }
0x38: {  	[sflag:s14] =	ssyncadd.s32 $0xFFFFB100  }
0x39: {  	s30 =	simm.s32 $0x0;
	[bflag:$0x0] =	sbarrier.arrive $0xFFFF  }
0x3a: {  	[tilespmem:s13], [sflag:$0x1] =	stream.indirect.gather [hbm4b:s1+s15], $0x80, s30, s15, $0xb8;
	[tilespmem:$0x1CF00] =	vst v63  }
0x3b: {  	_ =	swait.ge [sflag:s16], $0x4000  }
0x3c: {  	[sflag:s16] =	ssyncset.done $0x0  }
0x3d: {  	s31 =	simm.s32 $0x80;
	[sflag:s16] =	ssyncadd.s32 $0xFFFFC000  }
0x3e: {  	[spmem:s3] =	stream.indirect.scatter.add.f32 [tilespmem:s13], [sflag:$0x2], $0x80, s31, s15, $0xb8;
	[tilespmem:$0x1CF00] =	vst v63  }
0x3f: {  	_ =	swait.ge [sflag:s17], $0x4000  }
0x40: {  	s20 =	simm.s32 $0x400;
	s21 =	simm.s32 $0x800;
	[sflag:s17] =	ssyncset.done $0x0  }
.LBB2_4:
0x41: {  	s22 =	sshra.s32 s20, $0x2  }
0x42: {  	[sflag:s17] =	ssyncadd.s32 $0xFFFFC000;
	s20 =	smov.u32 s21;
	s23 =	sadd.s32 $0x400, s21  }
0x43: {  	[tilespmem:s13], [sflag:$0x1] =	stream.indirect.gather [hbm4b:s1+s15], $0x80, s22, s15, $0xb8;
	[tilespmem:$0x1CF00] =	vst v63  }
0x44: {  	p0 =	sne.s32 s21, $0x13800;
	_ =	swait.ge [sflag:s16], $0x4000  }
.Ltmp1:
0x45: {  	[sflag:s16] =	ssyncset.done $0x0;
	(pc) =	sbr.rel @p0 .LBB2_4-.Ltmp1, $4  }
0x46: {  	s21 =	sadd.s32 $0x80, s22;
	[sflag:s16] =	ssyncadd.s32 $0xFFFFC000  }
0x47: {  	[spmem:s3] =	stream.indirect.scatter.add.f32 [tilespmem:s13], [sflag:$0x2], $0x80, s21, s15, $0xb8;
	[tilespmem:$0x1CF00] =	vst v63  }
0x48: {  	_ =	swait.ge [sflag:s17], $0x4000  }
0x49: {  	s21 =	smov.u32 s23;
	[sflag:s17] =	ssyncset.done $0x0  }
0x4a: {  	s20 =	sshra.s32 s20, $0x2;
	[sflag:s17] =	ssyncadd.s32 $0xFFFFC000  }
0x4b: {  	[tilespmem:s13], [sflag:$0x1] =	stream.indirect.gather [hbm4b:s1+s15], $0x80, s20, s15, $0xb8;
	[tilespmem:$0x1CF00] =	vst v63  }
0x4c: {  	_ =	swait.ge [sflag:s16], $0x4000  }
0x4d: {  	[sflag:s16] =	ssyncset.done $0x0  }
0x4e: {  	s20 =	sadd.s32 $0x80, s20;
	[sflag:s16] =	ssyncadd.s32 $0xFFFFC000  }
0x4f: {  	[spmem:s3] =	stream.indirect.scatter.add.f32 [tilespmem:s13], [sflag:$0x2], $0x80, s20, s15, $0xb8;
	[tilespmem:$0x1CF00] =	vst v63  }
0x50: {  	_ =	swait.ge [sflag:s17], $0x4000  }
0x51: {  	s4 =	sadd.s32 $0x1, s4;
	[sflag:s17] =	ssyncset.done $0x0  }
0x52: {  	p0 =	sne.s32 s4, s12;
	[sflag:s17] =	ssyncadd.s32 $0xFFFFC000  }
.Ltmp2:
0x53: {  	[bflag:$0x0] =	sbarrier.arrive $0xFFFF;
	(pc) =	sbr.rel @p0 .LBB2_1-.Ltmp2, $4  }
0x54: {  	[hbm:s11], [sflag:s18] =	dma.local [spmem:s19], $0x2800  }
0x55: {  	_ =	swait.ge [sflag:s14], $0x2800  }
0x56: {  	[sflag:s14] =	ssyncset.done $0x0  }
0x57: {  	[sflag:s14] =	ssyncadd.s32 $0xFFFFD800  }
0x58: {  	_ =	sfence.sel $0x180000  }
0x59: {  	[bflag:$0x0] =	sbarrier.arrive $0xFFFF  }
0x5a: {  	p0 =	sne.s32 s0, $0x0;
	_ =	strace $0x9000004A  }
0x5b: {  	s0 =	sadd.s32 @!p0 $0x100000, s2;
	[bflag:$0x2] =	sbarrier.arrive $0xFFFF  }
0x5c: {  	[sflag:s0] =	ssyncadd.tile.s32 @!p0 $0x1;
	_ =	shalt  }
.Lfunc_end2:
_tile_overlayer_lowered:
.L_overlay_start_2:
0x5d: {  	(tag) =	ssettag $0x2  }
0x5e: {  	s0 =	rddreg [dreg:$0x0];
	s2 =	stileid.u32  }
0x5f: {  	s1 =	rddreg [dreg:$0x1];
	p0 =	sne.s32 s2, $0x0  }
0x60: {  	s3 =	rddreg [dreg:$0x2];
	[bflag:$0x3] =	sbarrier.arrive $0xFFFF;
	s2 =	simm.s32 @!p0 $0x1C03  }
0x61: {  	[timem:s3], [sflag:s2] =	dma.local @!p0 [hbm:s0], s1  }
0x62: {  	s0 =	simm.s32 @!p0 $0x3  }
0x63: {  	_ =	swait.ge @!p0 [sflag:s0], s1  }
0x64: {  	s1 =	ssub.s32 @!p0 $0x0, s1;
	[sflag:s0] =	ssyncset.done @!p0 $0x0  }
0x65: {  	[sflag:s0] =	ssyncadd.s32 @!p0 s1  }
0x66: {  	[bflag:$0x3] =	sbarrier.arrive $0xFFFF  }
0x67: {  	_ =	shalt  }

// kernel: kernel.14.cloned.1.call-start
scs
__scs_entry_jumppad:
0x0: {  	(pc) =	sbr.rel $0x88, $3  }
0x1: {  	(tag) =	ssettag $0x0;
	lr =	simm.s32 $0x1  }
0x2: {  	[smem:$0x3F98] =	sst lr;
	_ =	strace $0xD0000000  }
0x3: {  	_ = 	snop  }
0x4: {  	_ = 	snop  }
0x5: {  	_ = 	snop  }
0x6: {  	_ = 	snop  }
0x7: {  	_ = 	snop  }
__scs_overlays_trampoline_lowered:
0x8: {  	[smem:$0x3FA7] =	sst s0  }
0x9: {  	[smem:$0x3FA8] =	sst s1  }
0xa: {  	[smem:$0x3FA9] =	sst s2  }
0xb: {  	[smem:$0x3FAA] =	sst s3  }
0xc: {  	[smem:$0x3FAB] =	sst s4  }
0xd: {  	[smem:$0x3FAC] =	sst s5  }
0xe: {  	[smem:$0x3FAD] =	sst s6  }
0xf: {  	[smem:$0x3FAE] =	sst s7  }
0x10: {  	[smem:$0x3FAF] =	sst s8  }
0x11: {  	[smem:$0x3FB0] =	sst s9;
	s0 =	simm.s32 @!p0 $0x0  }
0x12: {  	s1 =	sld [smem:$0x3F96];
	s0 =	simm.s32 @p0 $0x1  }
0x13: {  	[smem:$0x3FB1] =	sst s0;
	s0 =	simm.s32 @!p1 $0x0  }
0x14: {  	s2 =	sld [smem:$0x3F95];
	s0 =	simm.s32 @p1 $0x1  }
0x15: {  	[smem:$0x3FB2] =	sst s0;
	s0 =	simm.s32 @!p2 $0x0  }
0x16: {  	s3 =	sld [smem:$0x3FDB];
	s0 =	simm.s32 @p2 $0x1  }
0x17: {  	s4 =	simm.s32 $0x1BF5;
	[smem:$0x3FB4] =	sst s0  }
0x18: {  	s0 =	sld [smem:$0x3F97];
	_ =	swait.ge [sflag:s4], $0x0  }
0x19: {  	s7 =	sld [smem:$0x3F98]  }
0x1a: {  	s8 =	sadd.s32 $0xFFFFE003, lr  }
0x1b: {  	s9 =	sadd.s32 $0xFFFFFEF7, lr;
	s5 =	simm.s32 $0xFFFFFFFF;
	p2 =	slt.u32 s8, $0xFFFFF086  }
0x1c: {  	p1 =	slt.u32 s9, $0xF7A;
	s5 =	simm.s32 @!p2 $0x0  }
0x1d: {  	s5 =	simm.s32 @p1 $0x1;
	p0 =	seq.s32 s7, s2  }
0x1e: {  	s7 =	smul.u32 @!p0 $0xF7A, s2;
	p2 =	seq.s32 @!p0 s5, $0x0  }
0x1f: {  	s9 =	smul.u32 $0xF7A, s1;
	s8 =	simm.s32 @!p0 $0x1BF5;
	p2 =	por !p2, p0  }
0x20: {  	[sflag:s8] =	ssyncset.s32 @!p0 $0xFFFFF086;
	s6 =	sadd.s32 @!p0 s3, s7;
	s7 =	simm.s32 @!p0 $0x108  }
0x21: {  	s3 =	sadd.s32 s3, s9;
	s6 =	sadd.s32 @!p0 $0x88, s6;
	s7 =	simm.s32 @p2 $0x1082  }
0x22: {  	[simem:s7], [sflag:s8] =	dma.local @!p0 [hbm:s6], $0xF7A  }
0x23: {  	s9 =	sor.u32 $0xD0000000, s2;
	s6 =	simm.s32 $0x108;
	_ =	swait.ge @!p0 [sflag:s8], $0x0  }
0x24: {  	s3 =	sadd.s32 $0x88, s3;
	s6 =	simm.s32 @!p1 $0x1082;
	[sflag:s4] =	ssyncset.s32 $0xFFFFF086  }
0x25: {  	[simem:s6], [sflag:s4] =	dma.local [hbm:s3], $0xF7A  }
0x26: {  	[smem:$0x3F98] =	sst s1;
	(tag) =	ssettag s2;
	_ =	strace s9  }
0x27: {  	s1 =	sld [smem:$0x3FA8]  }
0x28: {  	s2 =	sld [smem:$0x3FA9]  }
0x29: {  	s4 =	sld [smem:$0x3FAB]  }
0x2a: {  	p0 =	seq.s32 s5, $0x0;
	s5 =	sld [smem:$0x3FAC]  }
0x2b: {  	s6 =	sld [smem:$0x3FAD]  }
0x2c: {  	s7 =	sld [smem:$0x3FAE]  }
0x2d: {  	s3 =	simm.s32 $0x108;
	s8 =	sld [smem:$0x3FAF]  }
0x2e: {  	s3 =	simm.s32 @!p0 $0x1082;
	s9 =	sld [smem:$0x3FB0]  }
0x2f: {  	lr =	sadd.s32 s0, s3;
	s0 =	sld [smem:$0x3FA7]  }
0x30: {  	s3 =	sld [smem:$0x3FAA]  }
0x31: {  	[smem:$0x3FB3] =	sst s10  }
0x32: {  	s10 =	sld [smem:$0x3FB1];
	_ =	sdelay $0x3  }
0x33: {  	p0 =	seq.s32 s10, $0x1;
	s10 =	sld [smem:$0x3FB3];
	_ =	sdelay $0x3  }
0x34: {  	[smem:$0x3FB3] =	sst s10  }
0x35: {  	s10 =	sld [smem:$0x3FB2];
	_ =	sdelay $0x3  }
0x36: {  	p1 =	seq.s32 s10, $0x1;
	s10 =	sld [smem:$0x3FB3];
	_ =	sdelay $0x3  }
0x37: {  	[smem:$0x3FB3] =	sst s10  }
0x38: {  	s10 =	sld [smem:$0x3FB4]  }
0x39: {  	_ = 	snop;
	(pc) =	sbr.ind lr, $3  }
0x3a: {  	_ = 	snop  }
0x3b: {  	_ = 	snop  }
0x3c: {  	p2 =	seq.s32 s10, $0x1;
	s10 =	sld [smem:$0x3FB3]  }
0x3d: {  	_ =	shalt  }
0x3e: {  	_ =	shalt  }
0x3f: {  	_ =	shalt  }
0x40: {  	_ =	shalt  }
0x41: {  	_ =	shalt  }
0x42: {  	_ =	shalt  }
0x43: {  	_ =	shalt  }
0x44: {  	_ =	shalt  }
0x45: {  	_ =	shalt  }
0x46: {  	_ =	shalt  }
0x47: {  	_ =	shalt  }
0x48: {  	_ =	shalt  }
0x49: {  	_ =	shalt  }
0x4a: {  	_ =	shalt  }
0x4b: {  	_ =	shalt  }
0x4c: {  	_ =	shalt  }
0x4d: {  	_ =	shalt  }
0x4e: {  	_ =	shalt  }
0x4f: {  	_ =	shalt  }
0x50: {  	_ =	shalt  }
0x51: {  	_ =	shalt  }
0x52: {  	_ =	shalt  }
0x53: {  	_ =	shalt  }
0x54: {  	_ =	shalt  }
0x55: {  	_ =	shalt  }
0x56: {  	_ =	shalt  }
0x57: {  	_ =	shalt  }
0x58: {  	_ =	shalt  }
0x59: {  	_ =	shalt  }
0x5a: {  	_ =	shalt  }
0x5b: {  	_ =	shalt  }
0x5c: {  	_ =	shalt  }
0x5d: {  	_ =	shalt  }
0x5e: {  	_ =	shalt  }
0x5f: {  	_ =	shalt  }
0x60: {  	_ =	shalt  }
0x61: {  	_ =	shalt  }
0x62: {  	_ =	shalt  }
0x63: {  	_ =	shalt  }
0x64: {  	_ =	shalt  }
0x65: {  	_ =	shalt  }
0x66: {  	_ =	shalt  }
0x67: {  	_ =	shalt  }
0x68: {  	_ =	shalt  }
0x69: {  	_ =	shalt  }
0x6a: {  	_ =	shalt  }
0x6b: {  	_ =	shalt  }
0x6c: {  	_ =	shalt  }
0x6d: {  	_ =	shalt  }
0x6e: {  	_ =	shalt  }
0x6f: {  	_ =	shalt  }
0x70: {  	_ =	shalt  }
0x71: {  	_ =	shalt  }
0x72: {  	_ =	shalt  }
0x73: {  	_ =	shalt  }
0x74: {  	_ =	shalt  }
0x75: {  	_ =	shalt  }
0x76: {  	_ =	shalt  }
0x77: {  	_ =	shalt  }
0x78: {  	_ =	shalt  }
0x79: {  	_ =	shalt  }
0x7a: {  	_ =	shalt  }
0x7b: {  	_ =	shalt  }
0x7c: {  	_ =	shalt  }
0x7d: {  	_ =	shalt  }
0x7e: {  	_ =	shalt  }
0x7f: {  	_ =	shalt  }
0x80: {  	_ =	shalt  }
0x81: {  	_ =	shalt  }
0x82: {  	_ =	shalt  }
0x83: {  	_ =	shalt  }
0x84: {  	_ =	shalt  }
0x85: {  	_ =	shalt  }
0x86: {  	_ =	shalt  }
0x87: {  	_ =	shalt  }
.Lfunc_end0:
.L_simem_size_0:
called_computation.2_lowered:
.L_overlay_start_0:
0x88: {  	s2 =	sld [smem:$0x3FD9]  }
0x89: {  	s3 =	sld [smem:$0x3FFE];
	_ =	sdelay $0x1  }
0x8a: {  	s1 =	srdreg.scid  }
0x8b: {  	s0 =	sand.u32 $0x1, s1  }
0x8c: {  	s17 =	sshll.u32 s0, $0xA;
	s2 =	sadd.s32 s3, s2  }
0x8d: {  	s2 =	sadd.s32 s2, s17  }
0x8e: {  	[smem:$0x3FBF] =	sst s2  }
0x8f: {  	_ = 	snop  }
0x90: {  	s2 =	sld [smem:$0x3FD0];
	(tm) =	ssettm $0x1  }
0x91: {  	s18 =	sld [smem:$0x3FFB];
	_ =	sdelay $0x3  }
0x92: {  	_ =	strace s18  }
0x93: {  	s3 =	sld [smem:$0x3FFC];
	_ =	sdelay $0x3  }
0x94: {  	_ =	strace s3  }
0x95: {  	s3 =	sld [smem:$0x3FFD];
	_ =	sdelay $0x3  }
0x96: {  	_ =	strace s3  }
0x97: {  	_ =	strace $0x8FFFFFFF  }
0x98: {  	s19 =	sld [smem:$0x3FDB];
	_ =	sdelay $0x1  }
0x99: {  	s4 =	simm.s32 $_scs_section_size  }
0x9a: {  	s5 =	simm.s32 $_size__tile_overlayer_lowered;
	s6 =	simm.s32 $_tile_overlayer_lowered  }
0x9b: {  	s22 =	simm.s32 $0x1BFF;
	s21 =	sshll.u32 s6, $0x1;
	s3 =	sadd.s32 s4, s19  }
0x9c: {  	s7 =	simm.s32 $0x0;
	s20 =	sshll.u32 s5, $0x1;
	s5 =	sadd.s32 s21, s3  }
0x9d: {  	[timem:s7], [sflag:s22] =	dma.local [hbm:s5], s20  }
0x9e: {  	_ =	swait.ge [sflag:s22], s20  }
0x9f: {  	s4 =	ssub.s32 $0x0, s20;
	[sflag:s22] =	ssyncset.done $0x0  }
0xa0: {  	[sflag:s22] =	ssyncadd.s32 s4;
	_ =	sdelay $0x1  }
0xa1: {  	s23 =	simm.s32 $0x1B8B  }
0xa2: {  	_ =	swait.ge [sflag:s23], $0x1  }
0xa3: {  	[sflag:s23] =	ssyncset.done $0x0  }
0xa4: {  	s25 =	simm.s32 $0x1B8E;
	s24 =	sld [smem:$0x3FFE];
	[sflag:s23] =	ssyncadd.s32 $0xFFFFFFFF  }
0xa5: {  	s26 =	simm.s32 $execute0_lowered;
	[smem:$0x3FD2] =	sst s25  }
0xa6: {  	s5 =	sshll.u32 s26, $0x1;
	_ =	strace $0x8000004C;
	[dreg:$0x1] =	wrdreg $0xFFFFFFFF  }
0xa7: {  	s28 =	simm.s32 $_size_execute0_lowered;
	s3 =	sadd.s32 s3, s5;
	[dreg:$0x0] =	wrdreg $0x0  }
0xa8: {  	s5 =	sshll.u32 s28, $0x1;
	[dreg:$0x2] =	wrdreg s3  }
0xa9: {  	[dreg:$0x3] =	wrdreg s5  }
0xaa: {  	[dreg:$0x4] =	wrdreg $0xC0  }
0xab: {  	_ =	task [dreg:s7], $0x5FFFF  }
0xac: {  	[dreg:$0x1] =	wrdreg $0xFFFFFFFF  }
0xad: {  	[dreg:$0x0] =	wrdreg $0x60  }
0xae: {  	[dreg:$0x2] =	wrdreg s2  }
0xaf: {  	[dreg:$0x3] =	wrdreg s24  }
0xb0: {  	[dreg:$0x4] =	wrdreg $0x8F000  }
0xb1: {  	[dreg:$0x5] =	wrdreg $0x9  }
0xb2: {  	_ =	task.clear_ibuf [dreg:s7], $0x6FFFF;
	_ =	strace $0x9000004C  }
0xb3: {  	s29 =	simm.s32 $0x9;
	_ =	strace $0x8000004E  }
0xb4: {  	_ =	swait.ge [sflag:s29], $0x1  }
0xb5: {  	[sflag:s29] =	ssyncadd.s32 $0xFFFFFFFF  }
0xb6: {  	_ =	strace $0x9000004E  }
0xb7: {  	_ =	sfence  }
0xb8: {  	s30 =	sld [smem:$0x0];
	_ =	sdelay $0x2  }
0xb9: {  	s31 =	sshll.u32 s1, $0xD;
	s1 =	sshrl.u32 s1, $0x2  }
0xba: {  	s3 =	sand.u32 $0x4000, s31;
	s1 =	sadd.s32 s1, s30  }
0xbb: {  	s0 =	sor.u32 s3, s0;
	s1 =	sshll.u32 s1, $0x11  }
0xbc: {  	s0 =	sor.u32 s1, s0  }
0xbd: {  	s0 =	sadd.s32 $0x8F2B, s0  }
0xbe: {  	[sflag:s0] =	ssyncadd.remote.s32 $0x1  }
0xbf: {  	_ =	sfence.sel $0xFFFF  }
0xc0: {  	[dreg:$0x0] =	wrdreg $0xFFFFFFFF;
	(pc) =	sbr.abs _section_cstart, $3  }
0xc1: {  	[dreg:$0x1] =	wrdreg $0xFFFFFFFF  }
0xc2: {  	_ =	task.clear_ibuf [dreg:s7], $0x2FFFF;
	_ =	strace $0x9FFFFFFF  }
0xc3: {  	(tm) =	ssettm $0x7FFFFFFF  }
tec
execute0_lowered:
.L_overlay_start_1:
0x0: {  	(tag) =	ssettag $0x1  }
0x1: {  	s1 =	rddreg [dreg:$0x0]  }
0x2: {  	s6 =	rddreg [dreg:$0x1]  }
0x3: {  	s0 =	srdreg.scid;
	s3 =	rddreg [dreg:$0x2]  }
0x4: {  	s4 =	simm.s32 $0x0;
	s14 =	simm.s32 $0x3;
	s5 =	sand.u32 $0x1, s0  }
0x5: {  	s15 =	simm.s32 $0x80;
	s0 =	stileid.u32;
	s8 =	smul.u32 $0x140000, s5  }
0x6: {  	s16 =	simm.s32 $0x1;
	s17 =	simm.s32 $0x2;
	s9 =	smul.u32 $0x14000, s0  }
0x7: {  	[smem:$0x7FF] =	sst s4;
	s2 =	sshll.u32 s5, $0x4;
	s10 =	smul.u32 $0x50000, s0  }
0x8: {  	s5 =	ssub.s32 $0x2, s5;
	s18 =	sshll.u32 s0, $0x6;
	s2 =	sor.u32 s0, s2  }
0x9: {  	s30 =	sshrl.u32 s5, $0x1;
	s18 =	sor.u32 $0x1C03, s18;
	s7 =	smul.u32 $0x9E0, s2  }
0xa: {  	s2 =	rddreg [dreg:$0x3];
	_ =	strace $0x8000004D;
	s31 =	sshrl.u32 s10, $0x2  }
0xb: {  	s29 =	sadd.s32 s9, s8;
	s13 =	ssub.s32 s5, s30;
	s5 =	sadd.s32 s31, s3  }
0xc: {  	s11 =	sadd.s32 s7, s6;
	s7 =	sshrl.u32 s29, $0x3;
	s8 =	sadd.s32 $0xC000, s5  }
0xd: {  	s9 =	sadd.s32 $0x10000, s5;
	s19 =	sshrl.u32 s5, $0x3;
	s12 =	sadd.s32 s7, s6  }
0xe: {  	s6 =	sadd.s32 $0x4000, s5;
	s7 =	sadd.s32 $0x8000, s5;
	s10 =	sadd.s32 $0x2E00, s11  }
0xf: {  	v0 =	vimm.f32 $0.0e+00;
	s11 =	sadd.s32 $0x16A00, s12;
	s12 =	smax.u32 s13, $0x1;
	s13 =	simm.s32 $0x4F00  }
.LBB2_1:
0x10: {  	s20 =	simm.s32 $0x0;
	s21 =	simm.s32 $0x200  }
.LBB2_2:
0x11: {  	p0 =	sne.s32 s21, $0xFE00;
	[tilespmem:s20+$0x4F70] =	vst v0  }
0x12: {  	[tilespmem:s20+$0x4F00] =	vst v0  }
0x13: {  	[tilespmem:s20+$0x4F10] =	vst v0  }
.Ltmp0:
0x14: {  	[tilespmem:s20+$0x4F20] =	vst v0;
	(pc) =	sbr.rel @p0 .LBB2_2-.Ltmp0, $4  }
0x15: {  	[tilespmem:s20+$0x4F30] =	vst v0  }
0x16: {  	[tilespmem:s20+$0x4F40] =	vst v0  }
0x17: {  	[tilespmem:s20+$0x4F50] =	vst v0  }
0x18: {  	[tilespmem:s20+$0x4F60] =	vst v0;
	s20 =	sshra.s32 s21, $0x2;
	s21 =	sadd.s32 $0x200, s21  }
0x19: {  	[tilespmem:s20+$0x4F70] =	vst v0  }
0x1a: {  	[tilespmem:s20+$0x4F00] =	vst v0  }
0x1b: {  	[tilespmem:s20+$0x4F10] =	vst v0  }
0x1c: {  	[tilespmem:s20+$0x4F20] =	vst v0  }
0x1d: {  	[tilespmem:s20+$0x4F30] =	vst v0  }
0x1e: {  	[tilespmem:s20+$0x4F40] =	vst v0  }
0x1f: {  	[tilespmem:s20+$0x4F50] =	vst v0  }
0x20: {  	[tilespmem:s20+$0x4F60] =	vst v0  }
0x21: {  	[spmem:s5] =	stream.linear.scatter [tilespmem:s13], [sflag:$0x3], $0x4000, $0x38;
	[tilespmem:$0x1CF00] =	vst v63  }
0x22: {  	_ =	swait.ge [sflag:s14], $0x4000  }
0x23: {  	[sflag:s14] =	ssyncset.done $0x0  }
0x24: {  	[sflag:s14] =	ssyncadd.s32 $0xFFFFC000  }
0x25: {  	[spmem:s6] =	stream.linear.scatter [tilespmem:s13], [sflag:$0x3], $0x4000, $0x38;
	[tilespmem:$0x1CF00] =	vst v63  }
0x26: {  	_ =	swait.ge [sflag:s14], $0x4000  }
0x27: {  	[sflag:s14] =	ssyncset.done $0x0  }
0x28: {  	[sflag:s14] =	ssyncadd.s32 $0xFFFFC000  }
0x29: {  	[spmem:s7] =	stream.linear.scatter [tilespmem:s13], [sflag:$0x3], $0x4000, $0x38;
	[tilespmem:$0x1CF00] =	vst v63  }
0x2a: {  	_ =	swait.ge [sflag:s14], $0x4000  }
0x2b: {  	[sflag:s14] =	ssyncset.done $0x0  }
0x2c: {  	[sflag:s14] =	ssyncadd.s32 $0xFFFFC000  }
0x2d: {  	[spmem:s8] =	stream.linear.scatter [tilespmem:s13], [sflag:$0x3], $0x4000, $0x38;
	[tilespmem:$0x1CF00] =	vst v63  }
0x2e: {  	_ =	swait.ge [sflag:s14], $0x4000  }
0x2f: {  	[sflag:s14] =	ssyncset.done $0x0  }
0x30: {  	[sflag:s14] =	ssyncadd.s32 $0xFFFFC000  }
0x31: {  	[spmem:s9] =	stream.linear.scatter [tilespmem:s13], [sflag:$0x3], $0x4000, $0x38;
	[tilespmem:$0x1CF00] =	vst v63  }
0x32: {  	_ =	swait.ge [sflag:s14], $0x4000  }
0x33: {  	[sflag:s14] =	ssyncset.done $0x0  }
0x34: {  	s29 =	simm.s32 $0x0;
	[sflag:s14] =	ssyncadd.s32 $0xFFFFC000  }
0x35: {  	[tilespmem:s29], [sflag:$0x3] =	stream.linear.gather [hbm4b:s10+s29], $0x4F00, $0x38;
	[tilespmem:$0x1CF00] =	vst v63  }
0x36: {  	_ =	swait.ge [sflag:s14], $0x4F00  }
0x37: {  	[sflag:s14] =	ssyncset.done $0x0  }
0x38: {  	[sflag:s14] =	ssyncadd.s32 $0xFFFFB100  }
0x39: {  	s30 =	simm.s32 $0x0;
	[bflag:$0x0] =	sbarrier.arrive $0xFFFF  }
0x3a: {  	[tilespmem:s13], [sflag:$0x1] =	stream.indirect.gather [hbm4b:s1+s15], $0x80, s30, s15, $0xb8;
	[tilespmem:$0x1CF00] =	vst v63  }
0x3b: {  	_ =	swait.ge [sflag:s16], $0x4000  }
0x3c: {  	[sflag:s16] =	ssyncset.done $0x0  }
0x3d: {  	s31 =	simm.s32 $0x80;
	[sflag:s16] =	ssyncadd.s32 $0xFFFFC000  }
0x3e: {  	[spmem:s3] =	stream.indirect.scatter.add.f32 [tilespmem:s13], [sflag:$0x2], $0x80, s31, s15, $0xb8;
	[tilespmem:$0x1CF00] =	vst v63  }
0x3f: {  	_ =	swait.ge [sflag:s17], $0x4000  }
0x40: {  	s20 =	simm.s32 $0x400;
	s21 =	simm.s32 $0x800;
	[sflag:s17] =	ssyncset.done $0x0  }
.LBB2_4:
0x41: {  	s22 =	sshra.s32 s20, $0x2  }
0x42: {  	[sflag:s17] =	ssyncadd.s32 $0xFFFFC000;
	s20 =	smov.u32 s21;
	s23 =	sadd.s32 $0x400, s21  }
0x43: {  	[tilespmem:s13], [sflag:$0x1] =	stream.indirect.gather [hbm4b:s1+s15], $0x80, s22, s15, $0xb8;
	[tilespmem:$0x1CF00] =	vst v63  }
0x44: {  	p0 =	sne.s32 s21, $0x13800;
	_ =	swait.ge [sflag:s16], $0x4000  }
.Ltmp1:
0x45: {  	[sflag:s16] =	ssyncset.done $0x0;
	(pc) =	sbr.rel @p0 .LBB2_4-.Ltmp1, $4  }
0x46: {  	s21 =	sadd.s32 $0x80, s22;
	[sflag:s16] =	ssyncadd.s32 $0xFFFFC000  }
0x47: {  	[spmem:s3] =	stream.indirect.scatter.add.f32 [tilespmem:s13], [sflag:$0x2], $0x80, s21, s15, $0xb8;
	[tilespmem:$0x1CF00] =	vst v63  }
0x48: {  	_ =	swait.ge [sflag:s17], $0x4000  }
0x49: {  	s21 =	smov.u32 s23;
	[sflag:s17] =	ssyncset.done $0x0  }
0x4a: {  	s20 =	sshra.s32 s20, $0x2;
	[sflag:s17] =	ssyncadd.s32 $0xFFFFC000  }
0x4b: {  	[tilespmem:s13], [sflag:$0x1] =	stream.indirect.gather [hbm4b:s1+s15], $0x80, s20, s15, $0xb8;
	[tilespmem:$0x1CF00] =	vst v63  }
0x4c: {  	_ =	swait.ge [sflag:s16], $0x4000  }
0x4d: {  	[sflag:s16] =	ssyncset.done $0x0  }
0x4e: {  	s20 =	sadd.s32 $0x80, s20;
	[sflag:s16] =	ssyncadd.s32 $0xFFFFC000  }
0x4f: {  	[spmem:s3] =	stream.indirect.scatter.add.f32 [tilespmem:s13], [sflag:$0x2], $0x80, s20, s15, $0xb8;
	[tilespmem:$0x1CF00] =	vst v63  }
0x50: {  	_ =	swait.ge [sflag:s17], $0x4000  }
0x51: {  	s4 =	sadd.s32 $0x1, s4;
	[sflag:s17] =	ssyncset.done $0x0  }
0x52: {  	p0 =	sne.s32 s4, s12;
	[sflag:s17] =	ssyncadd.s32 $0xFFFFC000  }
.Ltmp2:
0x53: {  	[bflag:$0x0] =	sbarrier.arrive $0xFFFF;
	(pc) =	sbr.rel @p0 .LBB2_1-.Ltmp2, $4  }
0x54: {  	[hbm:s11], [sflag:s18] =	dma.local [spmem:s19], $0x2800  }
0x55: {  	_ =	swait.ge [sflag:s14], $0x2800  }
0x56: {  	[sflag:s14] =	ssyncset.done $0x0  }
0x57: {  	[sflag:s14] =	ssyncadd.s32 $0xFFFFD800  }
0x58: {  	_ =	sfence.sel $0x180000  }
0x59: {  	[bflag:$0x0] =	sbarrier.arrive $0xFFFF  }
0x5a: {  	p0 =	sne.s32 s0, $0x0;
	_ =	strace $0x9000004D  }
0x5b: {  	s0 =	sadd.s32 @!p0 $0x100000, s2;
	[bflag:$0x2] =	sbarrier.arrive $0xFFFF  }
0x5c: {  	[sflag:s0] =	ssyncadd.tile.s32 @!p0 $0x1;
	_ =	shalt  }
.Lfunc_end2:
_tile_overlayer_lowered:
.L_overlay_start_2:
0x5d: {  	(tag) =	ssettag $0x2  }
0x5e: {  	s0 =	rddreg [dreg:$0x0];
	s2 =	stileid.u32  }
0x5f: {  	s1 =	rddreg [dreg:$0x1];
	p0 =	sne.s32 s2, $0x0  }
0x60: {  	s3 =	rddreg [dreg:$0x2];
	[bflag:$0x3] =	sbarrier.arrive $0xFFFF;
	s2 =	simm.s32 @!p0 $0x1C03  }
0x61: {  	[timem:s3], [sflag:s2] =	dma.local @!p0 [hbm:s0], s1  }
0x62: {  	s0 =	simm.s32 @!p0 $0x3  }
0x63: {  	_ =	swait.ge @!p0 [sflag:s0], s1  }
0x64: {  	s1 =	ssub.s32 @!p0 $0x0, s1;
	[sflag:s0] =	ssyncset.done @!p0 $0x0  }
0x65: {  	[sflag:s0] =	ssyncadd.s32 @!p0 s1  }
0x66: {  	[bflag:$0x3] =	sbarrier.arrive $0xFFFF  }
0x67: {  	_ =	shalt  }

// kernel: kernel.8.cloned.1.call-start
scs
__scs_entry_jumppad:
0x0: {  	(pc) =	sbr.rel $0x88, $3  }
0x1: {  	(tag) =	ssettag $0x0;
	lr =	simm.s32 $0x1  }
0x2: {  	[smem:$0x3F98] =	sst lr;
	_ =	strace $0xD0000000  }
0x3: {  	_ = 	snop  }
0x4: {  	_ = 	snop  }
0x5: {  	_ = 	snop  }
0x6: {  	_ = 	snop  }
0x7: {  	_ = 	snop  }
__scs_overlays_trampoline_lowered:
0x8: {  	[smem:$0x3FA7] =	sst s0  }
0x9: {  	[smem:$0x3FA8] =	sst s1  }
0xa: {  	[smem:$0x3FA9] =	sst s2  }
0xb: {  	[smem:$0x3FAA] =	sst s3  }
0xc: {  	[smem:$0x3FAB] =	sst s4  }
0xd: {  	[smem:$0x3FAC] =	sst s5  }
0xe: {  	[smem:$0x3FAD] =	sst s6  }
0xf: {  	[smem:$0x3FAE] =	sst s7  }
0x10: {  	[smem:$0x3FAF] =	sst s8  }
0x11: {  	[smem:$0x3FB0] =	sst s9;
	s0 =	simm.s32 @!p0 $0x0  }
0x12: {  	s1 =	sld [smem:$0x3F96];
	s0 =	simm.s32 @p0 $0x1  }
0x13: {  	[smem:$0x3FB1] =	sst s0;
	s0 =	simm.s32 @!p1 $0x0  }
0x14: {  	s2 =	sld [smem:$0x3F95];
	s0 =	simm.s32 @p1 $0x1  }
0x15: {  	[smem:$0x3FB2] =	sst s0;
	s0 =	simm.s32 @!p2 $0x0  }
0x16: {  	s3 =	sld [smem:$0x3FDB];
	s0 =	simm.s32 @p2 $0x1  }
0x17: {  	s4 =	simm.s32 $0x1BF5;
	[smem:$0x3FB4] =	sst s0  }
0x18: {  	s0 =	sld [smem:$0x3F97];
	_ =	swait.ge [sflag:s4], $0x0  }
0x19: {  	s7 =	sld [smem:$0x3F98]  }
0x1a: {  	s8 =	sadd.s32 $0xFFFFE003, lr  }
0x1b: {  	s9 =	sadd.s32 $0xFFFFFEF7, lr;
	s5 =	simm.s32 $0xFFFFFFFF;
	p2 =	slt.u32 s8, $0xFFFFF086  }
0x1c: {  	p1 =	slt.u32 s9, $0xF7A;
	s5 =	simm.s32 @!p2 $0x0  }
0x1d: {  	s5 =	simm.s32 @p1 $0x1;
	p0 =	seq.s32 s7, s2  }
0x1e: {  	s7 =	smul.u32 @!p0 $0xF7A, s2;
	p2 =	seq.s32 @!p0 s5, $0x0  }
0x1f: {  	s9 =	smul.u32 $0xF7A, s1;
	s8 =	simm.s32 @!p0 $0x1BF5;
	p2 =	por !p2, p0  }
0x20: {  	[sflag:s8] =	ssyncset.s32 @!p0 $0xFFFFF086;
	s6 =	sadd.s32 @!p0 s3, s7;
	s7 =	simm.s32 @!p0 $0x108  }
0x21: {  	s3 =	sadd.s32 s3, s9;
	s6 =	sadd.s32 @!p0 $0x88, s6;
	s7 =	simm.s32 @p2 $0x1082  }
0x22: {  	[simem:s7], [sflag:s8] =	dma.local @!p0 [hbm:s6], $0xF7A  }
0x23: {  	s9 =	sor.u32 $0xD0000000, s2;
	s6 =	simm.s32 $0x108;
	_ =	swait.ge @!p0 [sflag:s8], $0x0  }
0x24: {  	s3 =	sadd.s32 $0x88, s3;
	s6 =	simm.s32 @!p1 $0x1082;
	[sflag:s4] =	ssyncset.s32 $0xFFFFF086  }
0x25: {  	[simem:s6], [sflag:s4] =	dma.local [hbm:s3], $0xF7A  }
0x26: {  	[smem:$0x3F98] =	sst s1;
	(tag) =	ssettag s2;
	_ =	strace s9  }
0x27: {  	s1 =	sld [smem:$0x3FA8]  }
0x28: {  	s2 =	sld [smem:$0x3FA9]  }
0x29: {  	s4 =	sld [smem:$0x3FAB]  }
0x2a: {  	p0 =	seq.s32 s5, $0x0;
	s5 =	sld [smem:$0x3FAC]  }
0x2b: {  	s6 =	sld [smem:$0x3FAD]  }
0x2c: {  	s7 =	sld [smem:$0x3FAE]  }
0x2d: {  	s3 =	simm.s32 $0x108;
	s8 =	sld [smem:$0x3FAF]  }
0x2e: {  	s3 =	simm.s32 @!p0 $0x1082;
	s9 =	sld [smem:$0x3FB0]  }
0x2f: {  	lr =	sadd.s32 s0, s3;
	s0 =	sld [smem:$0x3FA7]  }
0x30: {  	s3 =	sld [smem:$0x3FAA]  }
0x31: {  	[smem:$0x3FB3] =	sst s10  }
0x32: {  	s10 =	sld [smem:$0x3FB1];
	_ =	sdelay $0x3  }
0x33: {  	p0 =	seq.s32 s10, $0x1;
	s10 =	sld [smem:$0x3FB3];
	_ =	sdelay $0x3  }
0x34: {  	[smem:$0x3FB3] =	sst s10  }
0x35: {  	s10 =	sld [smem:$0x3FB2];
	_ =	sdelay $0x3  }
0x36: {  	p1 =	seq.s32 s10, $0x1;
	s10 =	sld [smem:$0x3FB3];
	_ =	sdelay $0x3  }
0x37: {  	[smem:$0x3FB3] =	sst s10  }
0x38: {  	s10 =	sld [smem:$0x3FB4]  }
0x39: {  	_ = 	snop;
	(pc) =	sbr.ind lr, $3  }
0x3a: {  	_ = 	snop  }
0x3b: {  	_ = 	snop  }
0x3c: {  	p2 =	seq.s32 s10, $0x1;
	s10 =	sld [smem:$0x3FB3]  }
0x3d: {  	_ =	shalt  }
0x3e: {  	_ =	shalt  }
0x3f: {  	_ =	shalt  }
0x40: {  	_ =	shalt  }
0x41: {  	_ =	shalt  }
0x42: {  	_ =	shalt  }
0x43: {  	_ =	shalt  }
0x44: {  	_ =	shalt  }
0x45: {  	_ =	shalt  }
0x46: {  	_ =	shalt  }
0x47: {  	_ =	shalt  }
0x48: {  	_ =	shalt  }
0x49: {  	_ =	shalt  }
0x4a: {  	_ =	shalt  }
0x4b: {  	_ =	shalt  }
0x4c: {  	_ =	shalt  }
0x4d: {  	_ =	shalt  }
0x4e: {  	_ =	shalt  }
0x4f: {  	_ =	shalt  }
0x50: {  	_ =	shalt  }
0x51: {  	_ =	shalt  }
0x52: {  	_ =	shalt  }
0x53: {  	_ =	shalt  }
0x54: {  	_ =	shalt  }
0x55: {  	_ =	shalt  }
0x56: {  	_ =	shalt  }
0x57: {  	_ =	shalt  }
0x58: {  	_ =	shalt  }
0x59: {  	_ =	shalt  }
0x5a: {  	_ =	shalt  }
0x5b: {  	_ =	shalt  }
0x5c: {  	_ =	shalt  }
0x5d: {  	_ =	shalt  }
0x5e: {  	_ =	shalt  }
0x5f: {  	_ =	shalt  }
0x60: {  	_ =	shalt  }
0x61: {  	_ =	shalt  }
0x62: {  	_ =	shalt  }
0x63: {  	_ =	shalt  }
0x64: {  	_ =	shalt  }
0x65: {  	_ =	shalt  }
0x66: {  	_ =	shalt  }
0x67: {  	_ =	shalt  }
0x68: {  	_ =	shalt  }
0x69: {  	_ =	shalt  }
0x6a: {  	_ =	shalt  }
0x6b: {  	_ =	shalt  }
0x6c: {  	_ =	shalt  }
0x6d: {  	_ =	shalt  }
0x6e: {  	_ =	shalt  }
0x6f: {  	_ =	shalt  }
0x70: {  	_ =	shalt  }
0x71: {  	_ =	shalt  }
0x72: {  	_ =	shalt  }
0x73: {  	_ =	shalt  }
0x74: {  	_ =	shalt  }
0x75: {  	_ =	shalt  }
0x76: {  	_ =	shalt  }
0x77: {  	_ =	shalt  }
0x78: {  	_ =	shalt  }
0x79: {  	_ =	shalt  }
0x7a: {  	_ =	shalt  }
0x7b: {  	_ =	shalt  }
0x7c: {  	_ =	shalt  }
0x7d: {  	_ =	shalt  }
0x7e: {  	_ =	shalt  }
0x7f: {  	_ =	shalt  }
0x80: {  	_ =	shalt  }
0x81: {  	_ =	shalt  }
0x82: {  	_ =	shalt  }
0x83: {  	_ =	shalt  }
0x84: {  	_ =	shalt  }
0x85: {  	_ =	shalt  }
0x86: {  	_ =	shalt  }
0x87: {  	_ =	shalt  }
.Lfunc_end0:
.L_simem_size_0:
called_computation_lowered:
.L_overlay_start_0:
0x88: {  	s2 =	sld [smem:$0x3FD9]  }
0x89: {  	s3 =	sld [smem:$0x3FFE];
	_ =	sdelay $0x1  }
0x8a: {  	s1 =	srdreg.scid  }
0x8b: {  	s0 =	sand.u32 $0x1, s1  }
0x8c: {  	s17 =	sshll.u32 s0, $0xA;
	s2 =	sadd.s32 s3, s2  }
0x8d: {  	s2 =	sadd.s32 s2, s17  }
0x8e: {  	[smem:$0x3FBF] =	sst s2  }
0x8f: {  	_ = 	snop  }
0x90: {  	s2 =	sld [smem:$0x3FD0];
	(tm) =	ssettm $0x1  }
0x91: {  	s18 =	sld [smem:$0x3FFB];
	_ =	sdelay $0x3  }
0x92: {  	_ =	strace s18  }
0x93: {  	s3 =	sld [smem:$0x3FFC];
	_ =	sdelay $0x3  }
0x94: {  	_ =	strace s3  }
0x95: {  	s3 =	sld [smem:$0x3FFD];
	_ =	sdelay $0x3  }
0x96: {  	_ =	strace s3  }
0x97: {  	_ =	strace $0x8FFFFFFF  }
0x98: {  	s19 =	sld [smem:$0x3FDB];
	_ =	sdelay $0x1  }
0x99: {  	s4 =	simm.s32 $_scs_section_size  }
0x9a: {  	s5 =	simm.s32 $_size__tile_overlayer_lowered;
	s6 =	simm.s32 $_tile_overlayer_lowered  }
0x9b: {  	s22 =	simm.s32 $0x1BFF;
	s21 =	sshll.u32 s6, $0x1;
	s3 =	sadd.s32 s4, s19  }
0x9c: {  	s7 =	simm.s32 $0x0;
	s20 =	sshll.u32 s5, $0x1;
	s5 =	sadd.s32 s21, s3  }
0x9d: {  	[timem:s7], [sflag:s22] =	dma.local [hbm:s5], s20  }
0x9e: {  	_ =	swait.ge [sflag:s22], s20  }
0x9f: {  	s4 =	ssub.s32 $0x0, s20;
	[sflag:s22] =	ssyncset.done $0x0  }
0xa0: {  	[sflag:s22] =	ssyncadd.s32 s4;
	_ =	sdelay $0x1  }
0xa1: {  	s23 =	simm.s32 $0x1B8B  }
0xa2: {  	_ =	swait.ge [sflag:s23], $0x1  }
0xa3: {  	[sflag:s23] =	ssyncset.done $0x0  }
0xa4: {  	s25 =	simm.s32 $0x1B8E;
	s24 =	sld [smem:$0x3FFE];
	[sflag:s23] =	ssyncadd.s32 $0xFFFFFFFF  }
0xa5: {  	s26 =	simm.s32 $execute0_lowered;
	[smem:$0x3FD2] =	sst s25  }
0xa6: {  	s5 =	sshll.u32 s26, $0x1;
	_ =	strace $0x80000046;
	[dreg:$0x1] =	wrdreg $0xFFFFFFFF  }
0xa7: {  	s28 =	simm.s32 $_size_execute0_lowered;
	s3 =	sadd.s32 s3, s5;
	[dreg:$0x0] =	wrdreg $0x0  }
0xa8: {  	s5 =	sshll.u32 s28, $0x1;
	[dreg:$0x2] =	wrdreg s3  }
0xa9: {  	[dreg:$0x3] =	wrdreg s5  }
0xaa: {  	[dreg:$0x4] =	wrdreg $0xC0  }
0xab: {  	_ =	task [dreg:s7], $0x5FFFF  }
0xac: {  	[dreg:$0x1] =	wrdreg $0xFFFFFFFF  }
0xad: {  	[dreg:$0x0] =	wrdreg $0x60  }
0xae: {  	[dreg:$0x2] =	wrdreg s24  }
0xaf: {  	[dreg:$0x3] =	wrdreg s2  }
0xb0: {  	[dreg:$0x4] =	wrdreg $0x52000  }
0xb1: {  	[dreg:$0x5] =	wrdreg $0x9  }
0xb2: {  	_ =	task.clear_ibuf [dreg:s7], $0x6FFFF;
	_ =	strace $0x90000046  }
0xb3: {  	s29 =	simm.s32 $0x9;
	_ =	strace $0x80000048  }
0xb4: {  	_ =	swait.ge [sflag:s29], $0x1  }
0xb5: {  	[sflag:s29] =	ssyncadd.s32 $0xFFFFFFFF  }
0xb6: {  	_ =	strace $0x90000048  }
0xb7: {  	_ =	sfence  }
0xb8: {  	s30 =	sld [smem:$0x0];
	_ =	sdelay $0x2  }
0xb9: {  	s31 =	sshll.u32 s1, $0xD;
	s1 =	sshrl.u32 s1, $0x2  }
0xba: {  	s3 =	sand.u32 $0x4000, s31;
	s1 =	sadd.s32 s1, s30  }
0xbb: {  	s0 =	sor.u32 s3, s0;
	s1 =	sshll.u32 s1, $0x11  }
0xbc: {  	s0 =	sor.u32 s1, s0  }
0xbd: {  	s0 =	sadd.s32 $0x8F2B, s0  }
0xbe: {  	[sflag:s0] =	ssyncadd.remote.s32 $0x1  }
0xbf: {  	_ =	sfence.sel $0xFFFF  }
0xc0: {  	[dreg:$0x0] =	wrdreg $0xFFFFFFFF;
	(pc) =	sbr.abs _section_cstart, $3  }
0xc1: {  	[dreg:$0x1] =	wrdreg $0xFFFFFFFF  }
0xc2: {  	_ =	task.clear_ibuf [dreg:s7], $0x2FFFF;
	_ =	strace $0x9FFFFFFF  }
0xc3: {  	(tm) =	ssettm $0x7FFFFFFF  }
tec
execute0_lowered:
.L_overlay_start_1:
0x0: {  	(tag) =	ssettag $0x1  }
0x1: {  	s4 =	rddreg [dreg:$0x0]  }
0x2: {  	s6 =	rddreg [dreg:$0x1]  }
0x3: {  	s0 =	srdreg.scid;
	s2 =	rddreg [dreg:$0x2]  }
0x4: {  	s3 =	simm.s32 $0x0;
	s11 =	simm.s32 $0x4F00;
	s14 =	simm.s32 $0x20  }
0x5: {  	s15 =	simm.s32 $0x10;
	s5 =	sand.u32 $0x1, s0;
	s0 =	stileid.u32  }
0x6: {  	s16 =	simm.s32 $0x0;
	[smem:$0x7FF] =	sst s3;
	s8 =	smul.u32 $0xA00, s0  }
0x7: {  	s1 =	sshll.u32 s5, $0x4;
	s9 =	ssub.s32 $0x2, s5;
	s10 =	smul.u32 $0x500, s0  }
0x8: {  	s5 =	sshll.u32 s5, $0x7;
	s12 =	sshll.u32 s0, $0x6;
	s7 =	sor.u32 s0, s1  }
0x9: {  	s1 =	rddreg [dreg:$0x3];
	_ =	strace $0x80000047;
	s28 =	sshrl.u32 s9, $0x1  }
0xa: {  	s12 =	sor.u32 $0x1C01, s12;
	s7 =	smul.u32 $0x9E0, s7;
	s9 =	ssub.s32 s9, s28  }
0xb: {  	s29 =	sshrl.u32 s8, $0x2;
	s30 =	sor.u32 s5, s10;
	s8 =	simm.s32 $0x4F80  }
0xc: {  	s10 =	simm.s32 $0x80;
	s31 =	sshrl.u32 s30, $0x3;
	s7 =	sadd.s32 s7, s4  }
0xd: {  	s4 =	sadd.s32 s29, s2;
	s6 =	sadd.s32 s6, s31;
	s5 =	sadd.s32 $0x2E00, s7  }
0xe: {  	v0 =	vimm.f32 $1.000000000e+00;
	v1 =	vimm.f32 $0.0e+00;
	s7 =	smax.u32 s9, $0x1;
	s9 =	simm.s32 $0x1;
	s13 =	sshrl.u32 s4, $0x3  }
.LBB2_1:
0xf: {  	[tilespmem:$0x4F00] =	vst v0  }
0x10: {  	[tilespmem:$0x4F10] =	vst v0  }
0x11: {  	[tilespmem:$0x4F20] =	vst v0  }
0x12: {  	[tilespmem:$0x4F30] =	vst v0  }
0x13: {  	[tilespmem:$0x4F40] =	vst v0  }
0x14: {  	[tilespmem:$0x4F50] =	vst v0  }
0x15: {  	[tilespmem:$0x4F60] =	vst v0  }
0x16: {  	[tilespmem:$0x4F70] =	vst v0  }
0x17: {  	[tilespmem:$0x4F80] =	vst v1  }
0x18: {  	[tilespmem:$0x4F90] =	vst v1  }
0x19: {  	[tilespmem:$0x4FA0] =	vst v1  }
0x1a: {  	[tilespmem:$0x4FB0] =	vst v1  }
0x1b: {  	[tilespmem:$0x4FC0] =	vst v1  }
0x1c: {  	[tilespmem:$0x4FD0] =	vst v1  }
0x1d: {  	[tilespmem:$0x4FE0] =	vst v1  }
0x1e: {  	[tilespmem:$0x4FF0] =	vst v1  }
0x1f: {  	[tilespmem:$0x5000] =	vst v1  }
0x20: {  	[tilespmem:$0x5010] =	vst v1  }
0x21: {  	[tilespmem:$0x5020] =	vst v1  }
0x22: {  	[tilespmem:$0x5030] =	vst v1  }
0x23: {  	[tilespmem:$0x5040] =	vst v1  }
0x24: {  	[tilespmem:$0x5050] =	vst v1  }
0x25: {  	[tilespmem:$0x5060] =	vst v1  }
0x26: {  	[tilespmem:$0x5070] =	vst v1  }
0x27: {  	[tilespmem:$0x5080] =	vst v1  }
0x28: {  	[tilespmem:$0x5090] =	vst v1  }
0x29: {  	[tilespmem:$0x50A0] =	vst v1  }
0x2a: {  	[tilespmem:$0x50B0] =	vst v1  }
0x2b: {  	[tilespmem:$0x50C0] =	vst v1  }
0x2c: {  	[tilespmem:$0x50D0] =	vst v1  }
0x2d: {  	[tilespmem:$0x50E0] =	vst v1  }
0x2e: {  	[tilespmem:$0x50F0] =	vst v1  }
0x2f: {  	[tilespmem:$0x5100] =	vst v1  }
0x30: {  	[tilespmem:$0x5110] =	vst v1  }
0x31: {  	[tilespmem:$0x5120] =	vst v1  }
0x32: {  	[tilespmem:$0x5130] =	vst v1  }
0x33: {  	[tilespmem:$0x5140] =	vst v1  }
0x34: {  	[tilespmem:$0x5150] =	vst v1  }
0x35: {  	[tilespmem:$0x5160] =	vst v1  }
0x36: {  	[tilespmem:$0x5170] =	vst v1  }
0x37: {  	[tilespmem:$0x5180] =	vst v1  }
0x38: {  	[tilespmem:$0x5190] =	vst v1  }
0x39: {  	[tilespmem:$0x51A0] =	vst v1  }
0x3a: {  	[tilespmem:$0x51B0] =	vst v1  }
0x3b: {  	[tilespmem:$0x51C0] =	vst v1  }
0x3c: {  	[tilespmem:$0x51D0] =	vst v1  }
0x3d: {  	[tilespmem:$0x51E0] =	vst v1  }
0x3e: {  	[tilespmem:$0x51F0] =	vst v1  }
0x3f: {  	[spmem:s4] =	stream.linear.scatter [tilespmem:s8], [sflag:$0x1], $0x280, $0x38;
	[tilespmem:$0x5480] =	vst v63  }
0x40: {  	_ =	swait.ge [sflag:s9], $0x280  }
0x41: {  	[sflag:s9] =	ssyncset.done $0x0  }
0x42: {  	[sflag:s9] =	ssyncadd.s32 $0xFFFFFD80  }
0x43: {  	[tilespmem:s3], [sflag:$0x1] =	stream.linear.gather [hbm4b:s5+s3], $0x4F00, $0x38;
	[tilespmem:$0x5480] =	vst v63  }
0x44: {  	_ =	swait.ge [sflag:s9], $0x4F00  }
0x45: {  	[sflag:s9] =	ssyncset.done $0x0  }
0x46: {  	[sflag:s9] =	ssyncadd.s32 $0xFFFFB100  }
0x47: {  	s17 =	simm.s32 $0x80;
	[bflag:$0x0] =	sbarrier.arrive $0xFFFF  }
0x48: {  	[spmem:s2] =	stream.indirect.scatter.add.f32 [tilespmem:s11], [sflag:$0x1], $0x1, s17, s10, $0xb8;
	[tilespmem:$0x5480] =	vst v63  }
0x49: {  	_ =	swait.ge [sflag:s9], $0x80  }
0x4a: {  	s17 =	simm.s32 $0x600;
	[sflag:s9] =	ssyncset.done $0x0  }
.LBB2_2:
0x4b: {  	s18 =	sshra.s32 s17, $0x2;
	[sflag:s9] =	ssyncadd.s32 $0xFFFFFF80;
	p0 =	sne.s32 s17, $0x13A00  }
0x4c: {  	[spmem:s2] =	stream.indirect.scatter.add.f32 [tilespmem:s11], [sflag:$0x1], $0x1, s18, s10, $0xb8;
	[tilespmem:$0x5480] =	vst v63  }
.Ltmp0:
0x4d: {  	_ = 	snop;
	(pc) =	sbr.rel @p0 .LBB2_2-.Ltmp0, $4  }
0x4e: {  	_ = 	snop  }
0x4f: {  	s17 =	sadd.s32 $0x400, s17  }
0x50: {  	_ =	swait.ge [sflag:s9], $0x80  }
0x51: {  	[sflag:s9] =	ssyncset.done $0x0  }
0x52: {  	s16 =	sadd.s32 $0x1, s16  }
0x53: {  	[sflag:s9] =	ssyncadd.s32 $0xFFFFFF80;
	p0 =	sne.s32 s16, s7  }
.Ltmp1:
0x54: {  	[bflag:$0x0] =	sbarrier.arrive $0xFFFF;
	(pc) =	sbr.rel @p0 .LBB2_1-.Ltmp1, $4  }
0x55: {  	[hbm:s6@s14], [sflag:s12] =	dma.strided [spmem:s13@s15], $0x50, s9, $0x10   }
0x56: {  	_ =	swait.ge [sflag:s9], $0x50  }
0x57: {  	[sflag:s9] =	ssyncset.done $0x0  }
0x58: {  	[sflag:s9] =	ssyncadd.s32 $0xFFFFFFB0  }
0x59: {  	_ =	sfence.sel $0x180000  }
0x5a: {  	[bflag:$0x0] =	sbarrier.arrive $0xFFFF  }
0x5b: {  	p0 =	sne.s32 s0, $0x0;
	_ =	strace $0x90000047  }
0x5c: {  	s0 =	sadd.s32 @!p0 $0x100000, s1;
	[bflag:$0x2] =	sbarrier.arrive $0xFFFF  }
0x5d: {  	[sflag:s0] =	ssyncadd.tile.s32 @!p0 $0x1;
	_ =	shalt  }
.Lfunc_end2:
_tile_overlayer_lowered:
.L_overlay_start_2:
0x5e: {  	(tag) =	ssettag $0x2  }
0x5f: {  	s0 =	rddreg [dreg:$0x0];
	s2 =	stileid.u32  }
0x60: {  	s1 =	rddreg [dreg:$0x1];
	p0 =	sne.s32 s2, $0x0  }
0x61: {  	s3 =	rddreg [dreg:$0x2];
	[bflag:$0x3] =	sbarrier.arrive $0xFFFF;
	s2 =	simm.s32 @!p0 $0x1C01  }
0x62: {  	[timem:s3], [sflag:s2] =	dma.local @!p0 [hbm:s0], s1  }
0x63: {  	s0 =	simm.s32 @!p0 $0x1  }
0x64: {  	_ =	swait.ge @!p0 [sflag:s0], s1  }
0x65: {  	s1 =	ssub.s32 @!p0 $0x0, s1;
	[sflag:s0] =	ssyncset.done @!p0 $0x0  }
0x66: {  	[sflag:s0] =	ssyncadd.s32 @!p0 s1  }
0x67: {  	[bflag:$0x3] =	sbarrier.arrive $0xFFFF  }
0x68: {  	_ =	shalt  }

</sc_bundles>
